<compile_context>
chip_gen: v7x
topology: tpu7x:2x2x1
jax: 0.10.2.dev20260603
libtpu: 0.0.44.dev20260713+nightly
codegen_flags: <defaults>
</compile_context>

<pallas_src>
import functools

import jax
import jax.numpy as jnp
import numpy as np
from jax.experimental import pallas as pl
from jax.experimental.pallas import tpu as pltpu
from jax.experimental.pallas import tpu_sc as plsc

BN = 256
BK = 2048
LANES = 128


def _vq_tc(xt_ref, cb2t_ref, c2_ref, idx_ref, mind_ref, rs_ref, rq_ref):
    k = cb2t_ref.shape[1]
    xt = xt_ref[...]
    c2 = c2_ref[...]
    x2 = jnp.sum(xt * xt, axis=1)
    x2b = jnp.broadcast_to(x2[:, None], (BN, LANES))
    rs_ref[...] = jnp.sum(xt, axis=1)
    rq_ref[...] = x2
    amin = jnp.full((BN, LANES), jnp.inf, jnp.float32)
    aidx = jnp.zeros((BN, LANES), jnp.int32)
    for j in range(k // BK):
        cb2t = cb2t_ref[:, j * BK:(j + 1) * BK]
        mm2 = jnp.dot(xt, cb2t, preferred_element_type=jnp.float32)
        for c in range(BK // LANES):
            mmc = mm2[:, c * LANES:(c + 1) * LANES]
            c2c = jnp.broadcast_to(
                c2[:, j * BK + c * LANES:j * BK + (c + 1) * LANES], (BN, LANES))
            sc = (x2b - mmc) + c2c
            upd = sc < amin
            amin = jnp.minimum(amin, sc)
            aidx = jnp.where(upd, j * BK + c * LANES, aidx)
    gmin = jnp.min(amin, axis=1)
    lane = jax.lax.broadcasted_iota(jnp.int32, (BN, LANES), 1)
    fidx = aidx + lane
    cand = jnp.where(amin == gmin[:, None], fidx, jnp.int32(k))
    idx_ref[...] = jnp.min(cand, axis=1)
    mind_ref[...] = gmin


def _tc_call(xt, cb2t, c2):
    n, e = xt.shape
    k = cb2t.shape[1]
    return pl.pallas_call(
        _vq_tc,
        grid=(n // BN,),
        in_specs=[
            pl.BlockSpec((BN, e), lambda i: (i, 0)),
            pl.BlockSpec((e, k), lambda i: (0, 0)),
            pl.BlockSpec((1, k), lambda i: (0, 0)),
        ],
        out_specs=[
            pl.BlockSpec((BN,), lambda i: (i,)),
            pl.BlockSpec((BN,), lambda i: (i,)),
            pl.BlockSpec((BN,), lambda i: (i,)),
            pl.BlockSpec((BN,), lambda i: (i,)),
        ],
        out_shape=[
            jax.ShapeDtypeStruct((n,), jnp.int32),
            jax.ShapeDtypeStruct((n,), jnp.float32),
            jax.ShapeDtypeStruct((n,), jnp.float32),
            jax.ShapeDtypeStruct((n,), jnp.float32),
        ],
    )(xt, cb2t, c2)


def _sc_gather(codebook, idxs):
    v, d = codebook.shape
    b = idxs.shape[0]
    info = plsc.get_sparse_core_info()
    nw = info.num_cores * info.num_subcores
    bpw = b // nw
    mesh = plsc.VectorSubcoreMesh(core_axis_name="c", subcore_axis_name="s")

    @functools.partial(
        pl.kernel, mesh=mesh,
        out_type=jax.ShapeDtypeStruct((b, d), jnp.float32),
        scratch_types=[
            pltpu.VMEM((bpw,), jnp.int32),
            pltpu.VMEM((bpw, d), jnp.float32),
            pltpu.SemaphoreType.DMA,
        ],
    )
    def k(table_hbm, idx_hbm, out_hbm, idx_v, rows_v, sem):
        wid = jax.lax.axis_index("s") * info.num_cores + jax.lax.axis_index("c")
        base = wid * bpw
        pltpu.sync_copy(idx_hbm.at[pl.ds(base, bpw)], idx_v)
        pltpu.async_copy(table_hbm.at[idx_v], rows_v, sem).wait()
        pltpu.sync_copy(rows_v, out_hbm.at[pl.ds(base, bpw)])

    return k(codebook, idxs)


def kernel(x, codebook):
    b, e, t = x.shape
    n = b * t
    xt = jnp.transpose(x, (0, 2, 1)).reshape(n, e)
    cb2t = jnp.transpose(codebook + codebook)
    c2 = jnp.sum(codebook.T ** 2, axis=0)[None, :]
    idxs, mind, rs, rq = _tc_call(xt, cb2t, c2)
    out_flat = _sc_gather(codebook, idxs)
    denom = float(n * e)
    fit = jnp.mean(mind)
    commit_loss = jnp.sum(mind) / denom
    sx = jnp.sum(rs)
    sq = jnp.sum(rq)
    x_norm = jnp.sqrt(jnp.maximum(sq - sx * sx / denom, 0.0)) / np.sqrt(denom)
    out = jnp.transpose(out_flat.reshape(b, t, e), (0, 2, 1))
    return out, commit_loss, fit, x_norm

# --- scband reference (transcript-rebuilt; emitter-appended) ---
"""Pipeline reference for scband-vector-quantizer-2594160246935 (READ-ONLY COPY).

The authoritative reference and input builder live on the scoring server;
editing this copy changes nothing except your own understanding.
"""

import jax, jax.numpy as jnp
import numpy as np


def setup_inputs(seed: int = 0) -> dict:
    key = jax.random.key(seed)
    k1, k2 = jax.random.split(key)
    x = jax.random.normal(k1, (8, 256, 1024), dtype=jnp.float32)
    codebook = jax.random.normal(k2, (8192, 256), dtype=jnp.float32)
    return {"x": x, "codebook": codebook}


def reference(x, codebook):
    # eval-mode forward of VectorQuantizer (inited=True, training=False)
    B, E, T = x.shape
    # preprocess: [B, E, T] -> [B*T, E]
    xt = jnp.transpose(x, (0, 2, 1)).reshape(-1, E)
    x_norm = jnp.linalg.norm(xt - jnp.mean(xt)) / np.sqrt(float(xt.shape[0] * xt.shape[1]))
    # squared-euclidean distances to all codes
    cbv = codebook.T  # [E, K]
    distances = (jnp.sum(xt ** 2, axis=-1, keepdims=True)
                 - 2.0 * jnp.matmul(xt, cbv)
                 + jnp.sum(cbv ** 2, axis=0, keepdims=True))  # [N, K]
    min_distances = jnp.min(distances, axis=-1)
    codebook_idxs = jnp.argmin(distances, axis=-1)
    fit = jnp.mean(min_distances)
    out = jnp.take(codebook, codebook_idxs, axis=0)  # F.embedding
    commit_loss = jnp.linalg.norm(jax.lax.stop_gradient(out) - xt) ** 2 / float(xt.shape[0] * xt.shape[1])
    out = xt + (out - xt)
    out = jax.lax.stop_gradient(out)
    # postprocess: [B*T, E] -> [B, E, T]
    out = out.reshape(B, T, -1)
    out = jnp.transpose(out, (0, 2, 1))
    return (out, commit_loss, fit, x_norm)

if __name__ == "__main__":
    import jax
    _d = setup_inputs()
    print(jax.jit(kernel)(*tuple(_d.values())))

</pallas_src>

<mosaic_0001>
#map = affine_map<(d0, d1) -> (0, 0)>
#map1 = affine_map<(d0, d1) -> (0)>
module attributes {stable_mosaic.version = 14 : i64} {
  func.func @k(%arg0: i32, %arg1: i32, %arg2: memref<8192x256xf32, #tpu.memory_space<hbm>>, %arg3: memref<8192xi32, #tpu.memory_space<hbm>>, %arg4: memref<8192x256xf32, #tpu.memory_space<hbm>>, %arg5: memref<256xi32, #tpu.memory_space<vmem>>, %arg6: memref<256x256xf32, #tpu.memory_space<vmem>>, %arg7: memref<!tpu.dma_semaphore, #tpu.memory_space<semaphore_mem>>) attributes {dimension_semantics = [#tpu.dimension_semantics<core_parallel>, #tpu.dimension_semantics<subcore_parallel>], iteration_bounds = array<i64: 2, 16>, scalar_prefetch = 0 : i64, scratch_operands = 3 : i64, tpu.core_type = #tpu.core_type<sc_vector_subcore>, window_params = [{transform_indices = #map}, {transform_indices = #map1}, {transform_indices = #map}]} {
    %mul3A = arith.constant 2 : i32
    %mul3A_0 = arith.muli %arg1, %mul3A : i32
    %add3A = arith.addi %mul3A_0, %arg0 : i32
    %mul3A_1 = arith.constant 256 : i32
    %mul3A_2 = arith.muli %add3A, %mul3A_1 : i32
    "tpu.region"() ({
      %run_scoped3A = tpu.sem_alloc : memref<!tpu.dma_semaphore, #tpu.memory_space<semaphore_mem>>
      %dma_start3A_7 = tpu.memref_slice %arg3[%mul3A_2] : memref<8192xi32, #tpu.memory_space<hbm>> -> memref<256xi32, #tpu.memory_space<hbm>>
      %dma_start3A_8 = tpu.memref_slice %arg3[%mul3A_2] : memref<8192xi32, #tpu.memory_space<hbm>> -> memref<256xi32, #tpu.memory_space<hbm>>
      tpu.enqueue_dma source(%dma_start3A_8 : memref<256xi32, #tpu.memory_space<hbm>>) target(%arg5 : memref<256xi32, #tpu.memory_space<vmem>>) target_semaphore(%run_scoped3A : memref<!tpu.dma_semaphore, #tpu.memory_space<semaphore_mem>>)
      %dma_wait3A_9 = tpu.memref_slice %arg3[%mul3A_2] : memref<8192xi32, #tpu.memory_space<hbm>> -> memref<256xi32, #tpu.memory_space<hbm>>
      %dma_wait3A_10 = tpu.memref_slice %arg3[%mul3A_2] : memref<8192xi32, #tpu.memory_space<hbm>> -> memref<256xi32, #tpu.memory_space<hbm>>
      tpu.wait_dma2 semaphore(%run_scoped3A : memref<!tpu.dma_semaphore, #tpu.memory_space<semaphore_mem>>) src(%dma_wait3A_10 : memref<256xi32, #tpu.memory_space<hbm>>) dst(%arg5 : memref<256xi32, #tpu.memory_space<vmem>>)
      tpu.yield
    }) : () -> ()
    %dma_start3A = arith.constant 0 : i32
    %dma_start3A_3 = arith.constant 0 : i32
    %dma_start3A_4 = tpu.memref_slice %arg2[%dma_start3A, %dma_start3A_3] : memref<8192x256xf32, #tpu.memory_space<hbm>> -> memref<8192x256xf32, #tpu.memory_space<hbm>>
    tpu.enqueue_indirect_dma source(%dma_start3A_4 : memref<8192x256xf32, #tpu.memory_space<hbm>>) target(%arg6 : memref<256x256xf32, #tpu.memory_space<vmem>>) offsets(%arg5 : memref<256xi32, #tpu.memory_space<vmem>>) semaphore(%arg7 : memref<!tpu.dma_semaphore, #tpu.memory_space<semaphore_mem>>)
    %dma_wait3A = arith.constant 0 : i32
    %dma_wait3A_5 = arith.constant 0 : i32
    %dma_wait3A_6 = tpu.memref_slice %arg2[%dma_wait3A, %dma_wait3A_5] : memref<8192x256xf32, #tpu.memory_space<hbm>> -> memref<8192x256xf32, #tpu.memory_space<hbm>>
    tpu.wait_indirect_dma semaphore(%arg7 : memref<!tpu.dma_semaphore, #tpu.memory_space<semaphore_mem>>) src(%dma_wait3A_6 : memref<8192x256xf32, #tpu.memory_space<hbm>>) dst(%arg6 : memref<256x256xf32, #tpu.memory_space<vmem>>)
    "tpu.region"() ({
      %run_scoped3A = tpu.sem_alloc : memref<!tpu.dma_semaphore, #tpu.memory_space<semaphore_mem>>
      %dma_start3A_7 = arith.constant 0 : i32
      %dma_start3A_8 = tpu.memref_slice %arg4[%mul3A_2, %dma_start3A_7] : memref<8192x256xf32, #tpu.memory_space<hbm>> -> memref<256x256xf32, #tpu.memory_space<hbm>>
      %dma_start3A_9 = arith.constant 0 : i32
      %dma_start3A_10 = tpu.memref_slice %arg4[%mul3A_2, %dma_start3A_9] : memref<8192x256xf32, #tpu.memory_space<hbm>> -> memref<256x256xf32, #tpu.memory_space<hbm>>
      tpu.enqueue_dma source(%arg6 : memref<256x256xf32, #tpu.memory_space<vmem>>) target(%dma_start3A_10 : memref<256x256xf32, #tpu.memory_space<hbm>>) target_semaphore(%run_scoped3A : memref<!tpu.dma_semaphore, #tpu.memory_space<semaphore_mem>>)
      %dma_wait3A_11 = arith.constant 0 : i32
      %dma_wait3A_12 = tpu.memref_slice %arg4[%mul3A_2, %dma_wait3A_11] : memref<8192x256xf32, #tpu.memory_space<hbm>> -> memref<256x256xf32, #tpu.memory_space<hbm>>
      %dma_wait3A_13 = arith.constant 0 : i32
      %dma_wait3A_14 = tpu.memref_slice %arg4[%mul3A_2, %dma_wait3A_13] : memref<8192x256xf32, #tpu.memory_space<hbm>> -> memref<256x256xf32, #tpu.memory_space<hbm>>
      tpu.wait_dma2 semaphore(%run_scoped3A : memref<!tpu.dma_semaphore, #tpu.memory_space<semaphore_mem>>) src(%arg6 : memref<256x256xf32, #tpu.memory_space<vmem>>) dst(%dma_wait3A_14 : memref<256x256xf32, #tpu.memory_space<hbm>>)
      tpu.yield
    }) : () -> ()
    return
  }
}

module attributes {stable_mosaic.version = 14 : i64} {
  func.func @_vq_tc(%arg0: i32, %arg1: memref<256x256xf32, #tpu.memory_space<vmem>>, %arg2: memref<256x8192xf32, #tpu.memory_space<vmem>>, %arg3: memref<1x8192xf32, #tpu.memory_space<vmem>>, %arg4: memref<256xi32, #tpu.memory_space<vmem>>, %arg5: memref<256xf32, #tpu.memory_space<vmem>>, %arg6: memref<256xf32, #tpu.memory_space<vmem>>, %arg7: memref<256xf32, #tpu.memory_space<vmem>>) attributes {dimension_semantics = [#tpu.dimension_semantics<arbitrary>], iteration_bounds = array<i64: 32>, scalar_prefetch = 0 : i64, scratch_operands = 0 : i64, tpu.core_type = #tpu.core_type<tc>, window_params = [{transform_indices = @transform_0, window_bounds = array<i64: 256, 256>}, {pipeline_mode = #tpu.pipeline_mode<synchronous>, transform_indices = @transform_1, window_bounds = array<i64: 256, 8192>}, {pipeline_mode = #tpu.pipeline_mode<synchronous>, transform_indices = @transform_2, window_bounds = array<i64: 1, 8192>}, {transform_indices = @transform_3, window_bounds = array<i64: 256>}, {transform_indices = @transform_4, window_bounds = array<i64: 256>}, {transform_indices = @transform_5, window_bounds = array<i64: 256>}, {transform_indices = @transform_6, window_bounds = array<i64: 256>}]} {
    %get3A = arith.constant 0 : index
    %get3A_0 = arith.constant 0 : index
    %get3A_1 = vector.load %arg1[%get3A, %get3A_0] : memref<256x256xf32, #tpu.memory_space<vmem>>, vector<256x256xf32>
    %get3A_2 = arith.constant 0 : index
    %get3A_3 = arith.constant 0 : index
    %get3A_4 = vector.load %arg3[%get3A_2, %get3A_3] : memref<1x8192xf32, #tpu.memory_space<vmem>>, vector<1x8192xf32>
    %mul3A = arith.mulf %get3A_1, %get3A_1 : vector<256x256xf32>
    %reduce_sum3A = arith.constant dense<0.000000e+00> : vector<256xf32>
    %reduce_sum3A_5 = vector.multi_reduction <add>, %mul3A, %reduce_sum3A [1] : vector<256x256xf32> to vector<256xf32>
    %broadcast_in_dim3A = vector.shape_cast %reduce_sum3A_5 : vector<256xf32> to vector<256x1xf32>
    %broadcast_in_dim3A_6 = vector.shape_cast %broadcast_in_dim3A : vector<256x1xf32> to vector<256x1xf32>
    %broadcast_in_dim3A_7 = vector.broadcast %broadcast_in_dim3A_6 : vector<256x1xf32> to vector<256x128xf32>
    %reduce_sum3A_8 = arith.constant dense<0.000000e+00> : vector<256xf32>
    %reduce_sum3A_9 = vector.multi_reduction <add>, %get3A_1, %reduce_sum3A_8 [1] : vector<256x256xf32> to vector<256xf32>
    %swap3A = arith.constant 0 : index
    %swap3A_10 = vector.load %arg6[%swap3A] : memref<256xf32, #tpu.memory_space<vmem>>, vector<256xf32>
    tpu.vector_store %arg6[%swap3A], %reduce_sum3A_9 {strides = array<i32>} : memref<256xf32, #tpu.memory_space<vmem>>, vector<256xf32>,
    %swap3A_11 = arith.constant 0 : index
    %swap3A_12 = vector.load %arg7[%swap3A_11] : memref<256xf32, #tpu.memory_space<vmem>>, vector<256xf32>
    tpu.vector_store %arg7[%swap3A_11], %reduce_sum3A_5 {strides = array<i32>} : memref<256xf32, #tpu.memory_space<vmem>>, vector<256xf32>,
    %broadcast_in_dim3A_13 = arith.constant 0x7F800000 : f32
    %broadcast_in_dim3A_14 = vector.broadcast %broadcast_in_dim3A_13 : f32 to vector<256x128xf32>
    %broadcast_in_dim3A_15 = arith.constant 0 : i32
    %broadcast_in_dim3A_16 = vector.broadcast %broadcast_in_dim3A_15 : i32 to vector<256x128xi32>
    %get3A_17 = arith.constant 0 : index
    %get3A_18 = arith.constant 0 : index
    %get3A_19 = vector.load %arg2[%get3A_17, %get3A_18] : memref<256x8192xf32, #tpu.memory_space<vmem>>, vector<256x2048xf32>
    %dot_general3A = arith.constant dense<0.000000e+00> : vector<256x2048xf32>
    %dot_general3A_20 = tpu.matmul %get3A_1, %get3A_19, %dot_general3A {dimension_numbers = #tpu.dot_dimension_numbers<[1], [0], [0], [1], [0, 0, 1, 1], [], []>, transpose_lhs_hint = false} : vector<256x256xf32>, vector<256x2048xf32>, vector<256x2048xf32> -> vector<256x2048xf32>
    %slice3A = vector.extract_strided_slice %dot_general3A_20 {offsets = [0, 0], sizes = [256, 128], strides = [1, 1]} : vector<256x2048xf32> to vector<256x128xf32>
    %slice3A_21 = vector.extract_strided_slice %get3A_4 {offsets = [0, 0], sizes = [1, 128], strides = [1, 1]} : vector<1x8192xf32> to vector<1x128xf32>
    %broadcast_in_dim3A_22 = vector.shape_cast %slice3A_21 : vector<1x128xf32> to vector<1x128xf32>
    %broadcast_in_dim3A_23 = vector.broadcast %broadcast_in_dim3A_22 : vector<1x128xf32> to vector<256x128xf32>
    %sub3A = arith.subf %broadcast_in_dim3A_7, %slice3A : vector<256x128xf32>
    %add3A = arith.addf %sub3A, %broadcast_in_dim3A_23 : vector<256x128xf32>
    %lt3A = arith.cmpf olt, %add3A, %broadcast_in_dim3A_14 : vector<256x128xf32>
    %min3A = arith.minimumf %broadcast_in_dim3A_14, %add3A : vector<256x128xf32>
    %jit3A = arith.constant 0 : i32
    %broadcast_in_dim3A_24 = vector.broadcast %jit3A : i32 to vector<256x128xi32>
    %select_n3A = arith.select %lt3A, %broadcast_in_dim3A_24, %broadcast_in_dim3A_16 : vector<256x128xi1>, vector<256x128xi32>
    %slice3A_25 = vector.extract_strided_slice %dot_general3A_20 {offsets = [0, 128], sizes = [256, 128], strides = [1, 1]} : vector<256x2048xf32> to vector<256x128xf32>
    %slice3A_26 = vector.extract_strided_slice %get3A_4 {offsets = [0, 128], sizes = [1, 128], strides = [1, 1]} : vector<1x8192xf32> to vector<1x128xf32>
    %broadcast_in_dim3A_27 = vector.shape_cast %slice3A_26 : vector<1x128xf32> to vector<1x128xf32>
    %broadcast_in_dim3A_28 = vector.broadcast %broadcast_in_dim3A_27 : vector<1x128xf32> to vector<256x128xf32>
    %sub3A_29 = arith.subf %broadcast_in_dim3A_7, %slice3A_25 : vector<256x128xf32>
    %add3A_30 = arith.addf %sub3A_29, %broadcast_in_dim3A_28 : vector<256x128xf32>
    %lt3A_31 = arith.cmpf olt, %add3A_30, %min3A : vector<256x128xf32>
    %min3A_32 = arith.minimumf %min3A, %add3A_30 : vector<256x128xf32>
    %jit3A_33 = arith.constant 128 : i32
    %broadcast_in_dim3A_34 = vector.broadcast %jit3A_33 : i32 to vector<256x128xi32>
    %select_n3A_35 = arith.select %lt3A_31, %broadcast_in_dim3A_34, %select_n3A : vector<256x128xi1>, vector<256x128xi32>
    %slice3A_36 = vector.extract_strided_slice %dot_general3A_20 {offsets = [0, 256], sizes = [256, 128], strides = [1, 1]} : vector<256x2048xf32> to vector<256x128xf32>
    %slice3A_37 = vector.extract_strided_slice %get3A_4 {offsets = [0, 256], sizes = [1, 128], strides = [1, 1]} : vector<1x8192xf32> to vector<1x128xf32>
    %broadcast_in_dim3A_38 = vector.shape_cast %slice3A_37 : vector<1x128xf32> to vector<1x128xf32>
    %broadcast_in_dim3A_39 = vector.broadcast %broadcast_in_dim3A_38 : vector<1x128xf32> to vector<256x128xf32>
    %sub3A_40 = arith.subf %broadcast_in_dim3A_7, %slice3A_36 : vector<256x128xf32>
    %add3A_41 = arith.addf %sub3A_40, %broadcast_in_dim3A_39 : vector<256x128xf32>
    %lt3A_42 = arith.cmpf olt, %add3A_41, %min3A_32 : vector<256x128xf32>
    %min3A_43 = arith.minimumf %min3A_32, %add3A_41 : vector<256x128xf32>
    %jit3A_44 = arith.constant 256 : i32
    %broadcast_in_dim3A_45 = vector.broadcast %jit3A_44 : i32 to vector<256x128xi32>
    %select_n3A_46 = arith.select %lt3A_42, %broadcast_in_dim3A_45, %select_n3A_35 : vector<256x128xi1>, vector<256x128xi32>
    %slice3A_47 = vector.extract_strided_slice %dot_general3A_20 {offsets = [0, 384], sizes = [256, 128], strides = [1, 1]} : vector<256x2048xf32> to vector<256x128xf32>
    %slice3A_48 = vector.extract_strided_slice %get3A_4 {offsets = [0, 384], sizes = [1, 128], strides = [1, 1]} : vector<1x8192xf32> to vector<1x128xf32>
    %broadcast_in_dim3A_49 = vector.shape_cast %slice3A_48 : vector<1x128xf32> to vector<1x128xf32>
    %broadcast_in_dim3A_50 = vector.broadcast %broadcast_in_dim3A_49 : vector<1x128xf32> to vector<256x128xf32>
    %sub3A_51 = arith.subf %broadcast_in_dim3A_7, %slice3A_47 : vector<256x128xf32>
    %add3A_52 = arith.addf %sub3A_51, %broadcast_in_dim3A_50 : vector<256x128xf32>
    %lt3A_53 = arith.cmpf olt, %add3A_52, %min3A_43 : vector<256x128xf32>
    %min3A_54 = arith.minimumf %min3A_43, %add3A_52 : vector<256x128xf32>
    %jit3A_55 = arith.constant 384 : i32
    %broadcast_in_dim3A_56 = vector.broadcast %jit3A_55 : i32 to vector<256x128xi32>
    %select_n3A_57 = arith.select %lt3A_53, %broadcast_in_dim3A_56, %select_n3A_46 : vector<256x128xi1>, vector<256x128xi32>
    %slice3A_58 = vector.extract_strided_slice %dot_general3A_20 {offsets = [0, 512], sizes = [256, 128], strides = [1, 1]} : vector<256x2048xf32> to vector<256x128xf32>
    %slice3A_59 = vector.extract_strided_slice %get3A_4 {offsets = [0, 512], sizes = [1, 128], strides = [1, 1]} : vector<1x8192xf32> to vector<1x128xf32>
    %broadcast_in_dim3A_60 = vector.shape_cast %slice3A_59 : vector<1x128xf32> to vector<1x128xf32>
    %broadcast_in_dim3A_61 = vector.broadcast %broadcast_in_dim3A_60 : vector<1x128xf32> to vector<256x128xf32>
    %sub3A_62 = arith.subf %broadcast_in_dim3A_7, %slice3A_58 : vector<256x128xf32>
    %add3A_63 = arith.addf %sub3A_62, %broadcast_in_dim3A_61 : vector<256x128xf32>
    %lt3A_64 = arith.cmpf olt, %add3A_63, %min3A_54 : vector<256x128xf32>
    %min3A_65 = arith.minimumf %min3A_54, %add3A_63 : vector<256x128xf32>
    %jit3A_66 = arith.constant 512 : i32
    %broadcast_in_dim3A_67 = vector.broadcast %jit3A_66 : i32 to vector<256x128xi32>
    %select_n3A_68 = arith.select %lt3A_64, %broadcast_in_dim3A_67, %select_n3A_57 : vector<256x128xi1>, vector<256x128xi32>
    %slice3A_69 = vector.extract_strided_slice %dot_general3A_20 {offsets = [0, 640], sizes = [256, 128], strides = [1, 1]} : vector<256x2048xf32> to vector<256x128xf32>
    %slice3A_70 = vector.extract_strided_slice %get3A_4 {offsets = [0, 640], sizes = [1, 128], strides = [1, 1]} : vector<1x8192xf32> to vector<1x128xf32>
    %broadcast_in_dim3A_71 = vector.shape_cast %slice3A_70 : vector<1x128xf32> to vector<1x128xf32>
    %broadcast_in_dim3A_72 = vector.broadcast %broadcast_in_dim3A_71 : vector<1x128xf32> to vector<256x128xf32>
    %sub3A_73 = arith.subf %broadcast_in_dim3A_7, %slice3A_69 : vector<256x128xf32>
    %add3A_74 = arith.addf %sub3A_73, %broadcast_in_dim3A_72 : vector<256x128xf32>
    %lt3A_75 = arith.cmpf olt, %add3A_74, %min3A_65 : vector<256x128xf32>
    %min3A_76 = arith.minimumf %min3A_65, %add3A_74 : vector<256x128xf32>
    %jit3A_77 = arith.constant 640 : i32
    %broadcast_in_dim3A_78 = vector.broadcast %jit3A_77 : i32 to vector<256x128xi32>
    %select_n3A_79 = arith.select %lt3A_75, %broadcast_in_dim3A_78, %select_n3A_68 : vector<256x128xi1>, vector<256x128xi32>
    %slice3A_80 = vector.extract_strided_slice %dot_general3A_20 {offsets = [0, 768], sizes = [256, 128], strides = [1, 1]} : vector<256x2048xf32> to vector<256x128xf32>
    %slice3A_81 = vector.extract_strided_slice %get3A_4 {offsets = [0, 768], sizes = [1, 128], strides = [1, 1]} : vector<1x8192xf32> to vector<1x128xf32>
    %broadcast_in_dim3A_82 = vector.shape_cast %slice3A_81 : vector<1x128xf32> to vector<1x128xf32>
    %broadcast_in_dim3A_83 = vector.broadcast %broadcast_in_dim3A_82 : vector<1x128xf32> to vector<256x128xf32>
    %sub3A_84 = arith.subf %broadcast_in_dim3A_7, %slice3A_80 : vector<256x128xf32>
    %add3A_85 = arith.addf %sub3A_84, %broadcast_in_dim3A_83 : vector<256x128xf32>
    %lt3A_86 = arith.cmpf olt, %add3A_85, %min3A_76 : vector<256x128xf32>
    %min3A_87 = arith.minimumf %min3A_76, %add3A_85 : vector<256x128xf32>
    %jit3A_88 = arith.constant 768 : i32
    %broadcast_in_dim3A_89 = vector.broadcast %jit3A_88 : i32 to vector<256x128xi32>
    %select_n3A_90 = arith.select %lt3A_86, %broadcast_in_dim3A_89, %select_n3A_79 : vector<256x128xi1>, vector<256x128xi32>
    %slice3A_91 = vector.extract_strided_slice %dot_general3A_20 {offsets = [0, 896], sizes = [256, 128], strides = [1, 1]} : vector<256x2048xf32> to vector<256x128xf32>
    %slice3A_92 = vector.extract_strided_slice %get3A_4 {offsets = [0, 896], sizes = [1, 128], strides = [1, 1]} : vector<1x8192xf32> to vector<1x128xf32>
    %broadcast_in_dim3A_93 = vector.shape_cast %slice3A_92 : vector<1x128xf32> to vector<1x128xf32>
    %broadcast_in_dim3A_94 = vector.broadcast %broadcast_in_dim3A_93 : vector<1x128xf32> to vector<256x128xf32>
    %sub3A_95 = arith.subf %broadcast_in_dim3A_7, %slice3A_91 : vector<256x128xf32>
    %add3A_96 = arith.addf %sub3A_95, %broadcast_in_dim3A_94 : vector<256x128xf32>
    %lt3A_97 = arith.cmpf olt, %add3A_96, %min3A_87 : vector<256x128xf32>
    %min3A_98 = arith.minimumf %min3A_87, %add3A_96 : vector<256x128xf32>
    %jit3A_99 = arith.constant 896 : i32
    %broadcast_in_dim3A_100 = vector.broadcast %jit3A_99 : i32 to vector<256x128xi32>
    %select_n3A_101 = arith.select %lt3A_97, %broadcast_in_dim3A_100, %select_n3A_90 : vector<256x128xi1>, vector<256x128xi32>
    %slice3A_102 = vector.extract_strided_slice %dot_general3A_20 {offsets = [0, 1024], sizes = [256, 128], strides = [1, 1]} : vector<256x2048xf32> to vector<256x128xf32>
    %slice3A_103 = vector.extract_strided_slice %get3A_4 {offsets = [0, 1024], sizes = [1, 128], strides = [1, 1]} : vector<1x8192xf32> to vector<1x128xf32>
    %broadcast_in_dim3A_104 = vector.shape_cast %slice3A_103 : vector<1x128xf32> to vector<1x128xf32>
    %broadcast_in_dim3A_105 = vector.broadcast %broadcast_in_dim3A_104 : vector<1x128xf32> to vector<256x128xf32>
    %sub3A_106 = arith.subf %broadcast_in_dim3A_7, %slice3A_102 : vector<256x128xf32>
    %add3A_107 = arith.addf %sub3A_106, %broadcast_in_dim3A_105 : vector<256x128xf32>
    %lt3A_108 = arith.cmpf olt, %add3A_107, %min3A_98 : vector<256x128xf32>
    %min3A_109 = arith.minimumf %min3A_98, %add3A_107 : vector<256x128xf32>
    %jit3A_110 = arith.constant 1024 : i32
    %broadcast_in_dim3A_111 = vector.broadcast %jit3A_110 : i32 to vector<256x128xi32>
    %select_n3A_112 = arith.select %lt3A_108, %broadcast_in_dim3A_111, %select_n3A_101 : vector<256x128xi1>, vector<256x128xi32>
    %slice3A_113 = vector.extract_strided_slice %dot_general3A_20 {offsets = [0, 1152], sizes = [256, 128], strides = [1, 1]} : vector<256x2048xf32> to vector<256x128xf32>
    %slice3A_114 = vector.extract_strided_slice %get3A_4 {offsets = [0, 1152], sizes = [1, 128], strides = [1, 1]} : vector<1x8192xf32> to vector<1x128xf32>
    %broadcast_in_dim3A_115 = vector.shape_cast %slice3A_114 : vector<1x128xf32> to vector<1x128xf32>
    %broadcast_in_dim3A_116 = vector.broadcast %broadcast_in_dim3A_115 : vector<1x128xf32> to vector<256x128xf32>
    %sub3A_117 = arith.subf %broadcast_in_dim3A_7, %slice3A_113 : vector<256x128xf32>
    %add3A_118 = arith.addf %sub3A_117, %broadcast_in_dim3A_116 : vector<256x128xf32>
    %lt3A_119 = arith.cmpf olt, %add3A_118, %min3A_109 : vector<256x128xf32>
    %min3A_120 = arith.minimumf %min3A_109, %add3A_118 : vector<256x128xf32>
    %jit3A_121 = arith.constant 1152 : i32
    %broadcast_in_dim3A_122 = vector.broadcast %jit3A_121 : i32 to vector<256x128xi32>
    %select_n3A_123 = arith.select %lt3A_119, %broadcast_in_dim3A_122, %select_n3A_112 : vector<256x128xi1>, vector<256x128xi32>
    %slice3A_124 = vector.extract_strided_slice %dot_general3A_20 {offsets = [0, 1280], sizes = [256, 128], strides = [1, 1]} : vector<256x2048xf32> to vector<256x128xf32>
    %slice3A_125 = vector.extract_strided_slice %get3A_4 {offsets = [0, 1280], sizes = [1, 128], strides = [1, 1]} : vector<1x8192xf32> to vector<1x128xf32>
    %broadcast_in_dim3A_126 = vector.shape_cast %slice3A_125 : vector<1x128xf32> to vector<1x128xf32>
    %broadcast_in_dim3A_127 = vector.broadcast %broadcast_in_dim3A_126 : vector<1x128xf32> to vector<256x128xf32>
    %sub3A_128 = arith.subf %broadcast_in_dim3A_7, %slice3A_124 : vector<256x128xf32>
    %add3A_129 = arith.addf %sub3A_128, %broadcast_in_dim3A_127 : vector<256x128xf32>
    %lt3A_130 = arith.cmpf olt, %add3A_129, %min3A_120 : vector<256x128xf32>
    %min3A_131 = arith.minimumf %min3A_120, %add3A_129 : vector<256x128xf32>
    %jit3A_132 = arith.constant 1280 : i32
    %broadcast_in_dim3A_133 = vector.broadcast %jit3A_132 : i32 to vector<256x128xi32>
    %select_n3A_134 = arith.select %lt3A_130, %broadcast_in_dim3A_133, %select_n3A_123 : vector<256x128xi1>, vector<256x128xi32>
    %slice3A_135 = vector.extract_strided_slice %dot_general3A_20 {offsets = [0, 1408], sizes = [256, 128], strides = [1, 1]} : vector<256x2048xf32> to vector<256x128xf32>
    %slice3A_136 = vector.extract_strided_slice %get3A_4 {offsets = [0, 1408], sizes = [1, 128], strides = [1, 1]} : vector<1x8192xf32> to vector<1x128xf32>
    %broadcast_in_dim3A_137 = vector.shape_cast %slice3A_136 : vector<1x128xf32> to vector<1x128xf32>
    %broadcast_in_dim3A_138 = vector.broadcast %broadcast_in_dim3A_137 : vector<1x128xf32> to vector<256x128xf32>
    %sub3A_139 = arith.subf %broadcast_in_dim3A_7, %slice3A_135 : vector<256x128xf32>
    %add3A_140 = arith.addf %sub3A_139, %broadcast_in_dim3A_138 : vector<256x128xf32>
    %lt3A_141 = arith.cmpf olt, %add3A_140, %min3A_131 : vector<256x128xf32>
    %min3A_142 = arith.minimumf %min3A_131, %add3A_140 : vector<256x128xf32>
    %jit3A_143 = arith.constant 1408 : i32
    %broadcast_in_dim3A_144 = vector.broadcast %jit3A_143 : i32 to vector<256x128xi32>
    %select_n3A_145 = arith.select %lt3A_141, %broadcast_in_dim3A_144, %select_n3A_134 : vector<256x128xi1>, vector<256x128xi32>
    %slice3A_146 = vector.extract_strided_slice %dot_general3A_20 {offsets = [0, 1536], sizes = [256, 128], strides = [1, 1]} : vector<256x2048xf32> to vector<256x128xf32>
    %slice3A_147 = vector.extract_strided_slice %get3A_4 {offsets = [0, 1536], sizes = [1, 128], strides = [1, 1]} : vector<1x8192xf32> to vector<1x128xf32>
    %broadcast_in_dim3A_148 = vector.shape_cast %slice3A_147 : vector<1x128xf32> to vector<1x128xf32>
    %broadcast_in_dim3A_149 = vector.broadcast %broadcast_in_dim3A_148 : vector<1x128xf32> to vector<256x128xf32>
    %sub3A_150 = arith.subf %broadcast_in_dim3A_7, %slice3A_146 : vector<256x128xf32>
    %add3A_151 = arith.addf %sub3A_150, %broadcast_in_dim3A_149 : vector<256x128xf32>
    %lt3A_152 = arith.cmpf olt, %add3A_151, %min3A_142 : vector<256x128xf32>
    %min3A_153 = arith.minimumf %min3A_142, %add3A_151 : vector<256x128xf32>
    %jit3A_154 = arith.constant 1536 : i32
    %broadcast_in_dim3A_155 = vector.broadcast %jit3A_154 : i32 to vector<256x128xi32>
    %select_n3A_156 = arith.select %lt3A_152, %broadcast_in_dim3A_155, %select_n3A_145 : vector<256x128xi1>, vector<256x128xi32>
    %slice3A_157 = vector.extract_strided_slice %dot_general3A_20 {offsets = [0, 1664], sizes = [256, 128], strides = [1, 1]} : vector<256x2048xf32> to vector<256x128xf32>
    %slice3A_158 = vector.extract_strided_slice %get3A_4 {offsets = [0, 1664], sizes = [1, 128], strides = [1, 1]} : vector<1x8192xf32> to vector<1x128xf32>
    %broadcast_in_dim3A_159 = vector.shape_cast %slice3A_158 : vector<1x128xf32> to vector<1x128xf32>
    %broadcast_in_dim3A_160 = vector.broadcast %broadcast_in_dim3A_159 : vector<1x128xf32> to vector<256x128xf32>
    %sub3A_161 = arith.subf %broadcast_in_dim3A_7, %slice3A_157 : vector<256x128xf32>
    %add3A_162 = arith.addf %sub3A_161, %broadcast_in_dim3A_160 : vector<256x128xf32>
    %lt3A_163 = arith.cmpf olt, %add3A_162, %min3A_153 : vector<256x128xf32>
    %min3A_164 = arith.minimumf %min3A_153, %add3A_162 : vector<256x128xf32>
    %jit3A_165 = arith.constant 1664 : i32
    %broadcast_in_dim3A_166 = vector.broadcast %jit3A_165 : i32 to vector<256x128xi32>
    %select_n3A_167 = arith.select %lt3A_163, %broadcast_in_dim3A_166, %select_n3A_156 : vector<256x128xi1>, vector<256x128xi32>
    %slice3A_168 = vector.extract_strided_slice %dot_general3A_20 {offsets = [0, 1792], sizes = [256, 128], strides = [1, 1]} : vector<256x2048xf32> to vector<256x128xf32>
    %slice3A_169 = vector.extract_strided_slice %get3A_4 {offsets = [0, 1792], sizes = [1, 128], strides = [1, 1]} : vector<1x8192xf32> to vector<1x128xf32>
    %broadcast_in_dim3A_170 = vector.shape_cast %slice3A_169 : vector<1x128xf32> to vector<1x128xf32>
    %broadcast_in_dim3A_171 = vector.broadcast %broadcast_in_dim3A_170 : vector<1x128xf32> to vector<256x128xf32>
    %sub3A_172 = arith.subf %broadcast_in_dim3A_7, %slice3A_168 : vector<256x128xf32>
    %add3A_173 = arith.addf %sub3A_172, %broadcast_in_dim3A_171 : vector<256x128xf32>
    %lt3A_174 = arith.cmpf olt, %add3A_173, %min3A_164 : vector<256x128xf32>
    %min3A_175 = arith.minimumf %min3A_164, %add3A_173 : vector<256x128xf32>
    %jit3A_176 = arith.constant 1792 : i32
    %broadcast_in_dim3A_177 = vector.broadcast %jit3A_176 : i32 to vector<256x128xi32>
    %select_n3A_178 = arith.select %lt3A_174, %broadcast_in_dim3A_177, %select_n3A_167 : vector<256x128xi1>, vector<256x128xi32>
    %slice3A_179 = vector.extract_strided_slice %dot_general3A_20 {offsets = [0, 1920], sizes = [256, 128], strides = [1, 1]} : vector<256x2048xf32> to vector<256x128xf32>
    %slice3A_180 = vector.extract_strided_slice %get3A_4 {offsets = [0, 1920], sizes = [1, 128], strides = [1, 1]} : vector<1x8192xf32> to vector<1x128xf32>
    %broadcast_in_dim3A_181 = vector.shape_cast %slice3A_180 : vector<1x128xf32> to vector<1x128xf32>
    %broadcast_in_dim3A_182 = vector.broadcast %broadcast_in_dim3A_181 : vector<1x128xf32> to vector<256x128xf32>
    %sub3A_183 = arith.subf %broadcast_in_dim3A_7, %slice3A_179 : vector<256x128xf32>
    %add3A_184 = arith.addf %sub3A_183, %broadcast_in_dim3A_182 : vector<256x128xf32>
    %lt3A_185 = arith.cmpf olt, %add3A_184, %min3A_175 : vector<256x128xf32>
    %min3A_186 = arith.minimumf %min3A_175, %add3A_184 : vector<256x128xf32>
    %jit3A_187 = arith.constant 1920 : i32
    %broadcast_in_dim3A_188 = vector.broadcast %jit3A_187 : i32 to vector<256x128xi32>
    %select_n3A_189 = arith.select %lt3A_185, %broadcast_in_dim3A_188, %select_n3A_178 : vector<256x128xi1>, vector<256x128xi32>
    %get3A_190 = arith.constant 0 : index
    %get3A_191 = arith.constant 2048 : index
    %get3A_192 = vector.load %arg2[%get3A_190, %get3A_191] : memref<256x8192xf32, #tpu.memory_space<vmem>>, vector<256x2048xf32>
    %dot_general3A_193 = arith.constant dense<0.000000e+00> : vector<256x2048xf32>
    %dot_general3A_194 = tpu.matmul %get3A_1, %get3A_192, %dot_general3A_193 {dimension_numbers = #tpu.dot_dimension_numbers<[1], [0], [0], [1], [0, 0, 1, 1], [], []>, transpose_lhs_hint = false} : vector<256x256xf32>, vector<256x2048xf32>, vector<256x2048xf32> -> vector<256x2048xf32>
    %slice3A_195 = vector.extract_strided_slice %dot_general3A_194 {offsets = [0, 0], sizes = [256, 128], strides = [1, 1]} : vector<256x2048xf32> to vector<256x128xf32>
    %slice3A_196 = vector.extract_strided_slice %get3A_4 {offsets = [0, 2048], sizes = [1, 128], strides = [1, 1]} : vector<1x8192xf32> to vector<1x128xf32>
    %broadcast_in_dim3A_197 = vector.shape_cast %slice3A_196 : vector<1x128xf32> to vector<1x128xf32>
    %broadcast_in_dim3A_198 = vector.broadcast %broadcast_in_dim3A_197 : vector<1x128xf32> to vector<256x128xf32>
    %sub3A_199 = arith.subf %broadcast_in_dim3A_7, %slice3A_195 : vector<256x128xf32>
    %add3A_200 = arith.addf %sub3A_199, %broadcast_in_dim3A_198 : vector<256x128xf32>
    %lt3A_201 = arith.cmpf olt, %add3A_200, %min3A_186 : vector<256x128xf32>
    %min3A_202 = arith.minimumf %min3A_186, %add3A_200 : vector<256x128xf32>
    %jit3A_203 = arith.constant 2048 : i32
    %broadcast_in_dim3A_204 = vector.broadcast %jit3A_203 : i32 to vector<256x128xi32>
    %select_n3A_205 = arith.select %lt3A_201, %broadcast_in_dim3A_204, %select_n3A_189 : vector<256x128xi1>, vector<256x128xi32>
    %slice3A_206 = vector.extract_strided_slice %dot_general3A_194 {offsets = [0, 128], sizes = [256, 128], strides = [1, 1]} : vector<256x2048xf32> to vector<256x128xf32>
    %slice3A_207 = vector.extract_strided_slice %get3A_4 {offsets = [0, 2176], sizes = [1, 128], strides = [1, 1]} : vector<1x8192xf32> to vector<1x128xf32>
    %broadcast_in_dim3A_208 = vector.shape_cast %slice3A_207 : vector<1x128xf32> to vector<1x128xf32>
    %broadcast_in_dim3A_209 = vector.broadcast %broadcast_in_dim3A_208 : vector<1x128xf32> to vector<256x128xf32>
    %sub3A_210 = arith.subf %broadcast_in_dim3A_7, %slice3A_206 : vector<256x128xf32>
    %add3A_211 = arith.addf %sub3A_210, %broadcast_in_dim3A_209 : vector<256x128xf32>
    %lt3A_212 = arith.cmpf olt, %add3A_211, %min3A_202 : vector<256x128xf32>
    %min3A_213 = arith.minimumf %min3A_202, %add3A_211 : vector<256x128xf32>
    %jit3A_214 = arith.constant 2176 : i32
    %broadcast_in_dim3A_215 = vector.broadcast %jit3A_214 : i32 to vector<256x128xi32>
    %select_n3A_216 = arith.select %lt3A_212, %broadcast_in_dim3A_215, %select_n3A_205 : vector<256x128xi1>, vector<256x128xi32>
    %slice3A_217 = vector.extract_strided_slice %dot_general3A_194 {offsets = [0, 256], sizes = [256, 128], strides = [1, 1]} : vector<256x2048xf32> to vector<256x128xf32>
    %slice3A_218 = vector.extract_strided_slice %get3A_4 {offsets = [0, 2304], sizes = [1, 128], strides = [1, 1]} : vector<1x8192xf32> to vector<1x128xf32>
    %broadcast_in_dim3A_219 = vector.shape_cast %slice3A_218 : vector<1x128xf32> to vector<1x128xf32>
    %broadcast_in_dim3A_220 = vector.broadcast %broadcast_in_dim3A_219 : vector<1x128xf32> to vector<256x128xf32>
    %sub3A_221 = arith.subf %broadcast_in_dim3A_7, %slice3A_217 : vector<256x128xf32>
    %add3A_222 = arith.addf %sub3A_221, %broadcast_in_dim3A_220 : vector<256x128xf32>
    %lt3A_223 = arith.cmpf olt, %add3A_222, %min3A_213 : vector<256x128xf32>
    %min3A_224 = arith.minimumf %min3A_213, %add3A_222 : vector<256x128xf32>
    %jit3A_225 = arith.constant 2304 : i32
    %broadcast_in_dim3A_226 = vector.broadcast %jit3A_225 : i32 to vector<256x128xi32>
    %select_n3A_227 = arith.select %lt3A_223, %broadcast_in_dim3A_226, %select_n3A_216 : vector<256x128xi1>, vector<256x128xi32>
    %slice3A_228 = vector.extract_strided_slice %dot_general3A_194 {offsets = [0, 384], sizes = [256, 128], strides = [1, 1]} : vector<256x2048xf32> to vector<256x128xf32>
    %slice3A_229 = vector.extract_strided_slice %get3A_4 {offsets = [0, 2432], sizes = [1, 128], strides = [1, 1]} : vector<1x8192xf32> to vector<1x128xf32>
    %broadcast_in_dim3A_230 = vector.shape_cast %slice3A_229 : vector<1x128xf32> to vector<1x128xf32>
    %broadcast_in_dim3A_231 = vector.broadcast %broadcast_in_dim3A_230 : vector<1x128xf32> to vector<256x128xf32>
    %sub3A_232 = arith.subf %broadcast_in_dim3A_7, %slice3A_228 : vector<256x128xf32>
    %add3A_233 = arith.addf %sub3A_232, %broadcast_in_dim3A_231 : vector<256x128xf32>
    %lt3A_234 = arith.cmpf olt, %add3A_233, %min3A_224 : vector<256x128xf32>
    %min3A_235 = arith.minimumf %min3A_224, %add3A_233 : vector<256x128xf32>
    %jit3A_236 = arith.constant 2432 : i32
    %broadcast_in_dim3A_237 = vector.broadcast %jit3A_236 : i32 to vector<256x128xi32>
    %select_n3A_238 = arith.select %lt3A_234, %broadcast_in_dim3A_237, %select_n3A_227 : vector<256x128xi1>, vector<256x128xi32>
    %slice3A_239 = vector.extract_strided_slice %dot_general3A_194 {offsets = [0, 512], sizes = [256, 128], strides = [1, 1]} : vector<256x2048xf32> to vector<256x128xf32>
    %slice3A_240 = vector.extract_strided_slice %get3A_4 {offsets = [0, 2560], sizes = [1, 128], strides = [1, 1]} : vector<1x8192xf32> to vector<1x128xf32>
    %broadcast_in_dim3A_241 = vector.shape_cast %slice3A_240 : vector<1x128xf32> to vector<1x128xf32>
    %broadcast_in_dim3A_242 = vector.broadcast %broadcast_in_dim3A_241 : vector<1x128xf32> to vector<256x128xf32>
    %sub3A_243 = arith.subf %broadcast_in_dim3A_7, %slice3A_239 : vector<256x128xf32>
    %add3A_244 = arith.addf %sub3A_243, %broadcast_in_dim3A_242 : vector<256x128xf32>
    %lt3A_245 = arith.cmpf olt, %add3A_244, %min3A_235 : vector<256x128xf32>
    %min3A_246 = arith.minimumf %min3A_235, %add3A_244 : vector<256x128xf32>
    %jit3A_247 = arith.constant 2560 : i32
    %broadcast_in_dim3A_248 = vector.broadcast %jit3A_247 : i32 to vector<256x128xi32>
    %select_n3A_249 = arith.select %lt3A_245, %broadcast_in_dim3A_248, %select_n3A_238 : vector<256x128xi1>, vector<256x128xi32>
    %slice3A_250 = vector.extract_strided_slice %dot_general3A_194 {offsets = [0, 640], sizes = [256, 128], strides = [1, 1]} : vector<256x2048xf32> to vector<256x128xf32>
    %slice3A_251 = vector.extract_strided_slice %get3A_4 {offsets = [0, 2688], sizes = [1, 128], strides = [1, 1]} : vector<1x8192xf32> to vector<1x128xf32>
    %broadcast_in_dim3A_252 = vector.shape_cast %slice3A_251 : vector<1x128xf32> to vector<1x128xf32>
    %broadcast_in_dim3A_253 = vector.broadcast %broadcast_in_dim3A_252 : vector<1x128xf32> to vector<256x128xf32>
    %sub3A_254 = arith.subf %broadcast_in_dim3A_7, %slice3A_250 : vector<256x128xf32>
    %add3A_255 = arith.addf %sub3A_254, %broadcast_in_dim3A_253 : vector<256x128xf32>
    %lt3A_256 = arith.cmpf olt, %add3A_255, %min3A_246 : vector<256x128xf32>
    %min3A_257 = arith.minimumf %min3A_246, %add3A_255 : vector<256x128xf32>
    %jit3A_258 = arith.constant 2688 : i32
    %broadcast_in_dim3A_259 = vector.broadcast %jit3A_258 : i32 to vector<256x128xi32>
    %select_n3A_260 = arith.select %lt3A_256, %broadcast_in_dim3A_259, %select_n3A_249 : vector<256x128xi1>, vector<256x128xi32>
    %slice3A_261 = vector.extract_strided_slice %dot_general3A_194 {offsets = [0, 768], sizes = [256, 128], strides = [1, 1]} : vector<256x2048xf32> to vector<256x128xf32>
    %slice3A_262 = vector.extract_strided_slice %get3A_4 {offsets = [0, 2816], sizes = [1, 128], strides = [1, 1]} : vector<1x8192xf32> to vector<1x128xf32>
    %broadcast_in_dim3A_263 = vector.shape_cast %slice3A_262 : vector<1x128xf32> to vector<1x128xf32>
    %broadcast_in_dim3A_264 = vector.broadcast %broadcast_in_dim3A_263 : vector<1x128xf32> to vector<256x128xf32>
    %sub3A_265 = arith.subf %broadcast_in_dim3A_7, %slice3A_261 : vector<256x128xf32>
    %add3A_266 = arith.addf %sub3A_265, %broadcast_in_dim3A_264 : vector<256x128xf32>
    %lt3A_267 = arith.cmpf olt, %add3A_266, %min3A_257 : vector<256x128xf32>
    %min3A_268 = arith.minimumf %min3A_257, %add3A_266 : vector<256x128xf32>
    %jit3A_269 = arith.constant 2816 : i32
    %broadcast_in_dim3A_270 = vector.broadcast %jit3A_269 : i32 to vector<256x128xi32>
    %select_n3A_271 = arith.select %lt3A_267, %broadcast_in_dim3A_270, %select_n3A_260 : vector<256x128xi1>, vector<256x128xi32>
    %slice3A_272 = vector.extract_strided_slice %dot_general3A_194 {offsets = [0, 896], sizes = [256, 128], strides = [1, 1]} : vector<256x2048xf32> to vector<256x128xf32>
    %slice3A_273 = vector.extract_strided_slice %get3A_4 {offsets = [0, 2944], sizes = [1, 128], strides = [1, 1]} : vector<1x8192xf32> to vector<1x128xf32>
    %broadcast_in_dim3A_274 = vector.shape_cast %slice3A_273 : vector<1x128xf32> to vector<1x128xf32>
    %broadcast_in_dim3A_275 = vector.broadcast %broadcast_in_dim3A_274 : vector<1x128xf32> to vector<256x128xf32>
    %sub3A_276 = arith.subf %broadcast_in_dim3A_7, %slice3A_272 : vector<256x128xf32>
    %add3A_277 = arith.addf %sub3A_276, %broadcast_in_dim3A_275 : vector<256x128xf32>
    %lt3A_278 = arith.cmpf olt, %add3A_277, %min3A_268 : vector<256x128xf32>
    %min3A_279 = arith.minimumf %min3A_268, %add3A_277 : vector<256x128xf32>
    %jit3A_280 = arith.constant 2944 : i32
    %broadcast_in_dim3A_281 = vector.broadcast %jit3A_280 : i32 to vector<256x128xi32>
    %select_n3A_282 = arith.select %lt3A_278, %broadcast_in_dim3A_281, %select_n3A_271 : vector<256x128xi1>, vector<256x128xi32>
    %slice3A_283 = vector.extract_strided_slice %dot_general3A_194 {offsets = [0, 1024], sizes = [256, 128], strides = [1, 1]} : vector<256x2048xf32> to vector<256x128xf32>
    %slice3A_284 = vector.extract_strided_slice %get3A_4 {offsets = [0, 3072], sizes = [1, 128], strides = [1, 1]} : vector<1x8192xf32> to vector<1x128xf32>
    %broadcast_in_dim3A_285 = vector.shape_cast %slice3A_284 : vector<1x128xf32> to vector<1x128xf32>
    %broadcast_in_dim3A_286 = vector.broadcast %broadcast_in_dim3A_285 : vector<1x128xf32> to vector<256x128xf32>
    %sub3A_287 = arith.subf %broadcast_in_dim3A_7, %slice3A_283 : vector<256x128xf32>
    %add3A_288 = arith.addf %sub3A_287, %broadcast_in_dim3A_286 : vector<256x128xf32>
    %lt3A_289 = arith.cmpf olt, %add3A_288, %min3A_279 : vector<256x128xf32>
    %min3A_290 = arith.minimumf %min3A_279, %add3A_288 : vector<256x128xf32>
    %jit3A_291 = arith.constant 3072 : i32
    %broadcast_in_dim3A_292 = vector.broadcast %jit3A_291 : i32 to vector<256x128xi32>
    %select_n3A_293 = arith.select %lt3A_289, %broadcast_in_dim3A_292, %select_n3A_282 : vector<256x128xi1>, vector<256x128xi32>
    %slice3A_294 = vector.extract_strided_slice %dot_general3A_194 {offsets = [0, 1152], sizes = [256, 128], strides = [1, 1]} : vector<256x2048xf32> to vector<256x128xf32>
    %slice3A_295 = vector.extract_strided_slice %get3A_4 {offsets = [0, 3200], sizes = [1, 128], strides = [1, 1]} : vector<1x8192xf32> to vector<1x128xf32>
    %broadcast_in_dim3A_296 = vector.shape_cast %slice3A_295 : vector<1x128xf32> to vector<1x128xf32>
    %broadcast_in_dim3A_297 = vector.broadcast %broadcast_in_dim3A_296 : vector<1x128xf32> to vector<256x128xf32>
    %sub3A_298 = arith.subf %broadcast_in_dim3A_7, %slice3A_294 : vector<256x128xf32>
    %add3A_299 = arith.addf %sub3A_298, %broadcast_in_dim3A_297 : vector<256x128xf32>
    %lt3A_300 = arith.cmpf olt, %add3A_299, %min3A_290 : vector<256x128xf32>
    %min3A_301 = arith.minimumf %min3A_290, %add3A_299 : vector<256x128xf32>
    %jit3A_302 = arith.constant 3200 : i32
    %broadcast_in_dim3A_303 = vector.broadcast %jit3A_302 : i32 to vector<256x128xi32>
    %select_n3A_304 = arith.select %lt3A_300, %broadcast_in_dim3A_303, %select_n3A_293 : vector<256x128xi1>, vector<256x128xi32>
    %slice3A_305 = vector.extract_strided_slice %dot_general3A_194 {offsets = [0, 1280], sizes = [256, 128], strides = [1, 1]} : vector<256x2048xf32> to vector<256x128xf32>
    %slice3A_306 = vector.extract_strided_slice %get3A_4 {offsets = [0, 3328], sizes = [1, 128], strides = [1, 1]} : vector<1x8192xf32> to vector<1x128xf32>
    %broadcast_in_dim3A_307 = vector.shape_cast %slice3A_306 : vector<1x128xf32> to vector<1x128xf32>
    %broadcast_in_dim3A_308 = vector.broadcast %broadcast_in_dim3A_307 : vector<1x128xf32> to vector<256x128xf32>
    %sub3A_309 = arith.subf %broadcast_in_dim3A_7, %slice3A_305 : vector<256x128xf32>
    %add3A_310 = arith.addf %sub3A_309, %broadcast_in_dim3A_308 : vector<256x128xf32>
    %lt3A_311 = arith.cmpf olt, %add3A_310, %min3A_301 : vector<256x128xf32>
    %min3A_312 = arith.minimumf %min3A_301, %add3A_310 : vector<256x128xf32>
    %jit3A_313 = arith.constant 3328 : i32
    %broadcast_in_dim3A_314 = vector.broadcast %jit3A_313 : i32 to vector<256x128xi32>
    %select_n3A_315 = arith.select %lt3A_311, %broadcast_in_dim3A_314, %select_n3A_304 : vector<256x128xi1>, vector<256x128xi32>
    %slice3A_316 = vector.extract_strided_slice %dot_general3A_194 {offsets = [0, 1408], sizes = [256, 128], strides = [1, 1]} : vector<256x2048xf32> to vector<256x128xf32>
    %slice3A_317 = vector.extract_strided_slice %get3A_4 {offsets = [0, 3456], sizes = [1, 128], strides = [1, 1]} : vector<1x8192xf32> to vector<1x128xf32>
    %broadcast_in_dim3A_318 = vector.shape_cast %slice3A_317 : vector<1x128xf32> to vector<1x128xf32>
    %broadcast_in_dim3A_319 = vector.broadcast %broadcast_in_dim3A_318 : vector<1x128xf32> to vector<256x128xf32>
    %sub3A_320 = arith.subf %broadcast_in_dim3A_7, %slice3A_316 : vector<256x128xf32>
    %add3A_321 = arith.addf %sub3A_320, %broadcast_in_dim3A_319 : vector<256x128xf32>
    %lt3A_322 = arith.cmpf olt, %add3A_321, %min3A_312 : vector<256x128xf32>
    %min3A_323 = arith.minimumf %min3A_312, %add3A_321 : vector<256x128xf32>
    %jit3A_324 = arith.constant 3456 : i32
    %broadcast_in_dim3A_325 = vector.broadcast %jit3A_324 : i32 to vector<256x128xi32>
    %select_n3A_326 = arith.select %lt3A_322, %broadcast_in_dim3A_325, %select_n3A_315 : vector<256x128xi1>, vector<256x128xi32>
    %slice3A_327 = vector.extract_strided_slice %dot_general3A_194 {offsets = [0, 1536], sizes = [256, 128], strides = [1, 1]} : vector<256x2048xf32> to vector<256x128xf32>
    %slice3A_328 = vector.extract_strided_slice %get3A_4 {offsets = [0, 3584], sizes = [1, 128], strides = [1, 1]} : vector<1x8192xf32> to vector<1x128xf32>
    %broadcast_in_dim3A_329 = vector.shape_cast %slice3A_328 : vector<1x128xf32> to vector<1x128xf32>
    %broadcast_in_dim3A_330 = vector.broadcast %broadcast_in_dim3A_329 : vector<1x128xf32> to vector<256x128xf32>
    %sub3A_331 = arith.subf %broadcast_in_dim3A_7, %slice3A_327 : vector<256x128xf32>
    %add3A_332 = arith.addf %sub3A_331, %broadcast_in_dim3A_330 : vector<256x128xf32>
    %lt3A_333 = arith.cmpf olt, %add3A_332, %min3A_323 : vector<256x128xf32>
    %min3A_334 = arith.minimumf %min3A_323, %add3A_332 : vector<256x128xf32>
    %jit3A_335 = arith.constant 3584 : i32
    %broadcast_in_dim3A_336 = vector.broadcast %jit3A_335 : i32 to vector<256x128xi32>
    %select_n3A_337 = arith.select %lt3A_333, %broadcast_in_dim3A_336, %select_n3A_326 : vector<256x128xi1>, vector<256x128xi32>
    %slice3A_338 = vector.extract_strided_slice %dot_general3A_194 {offsets = [0, 1664], sizes = [256, 128], strides = [1, 1]} : vector<256x2048xf32> to vector<256x128xf32>
    %slice3A_339 = vector.extract_strided_slice %get3A_4 {offsets = [0, 3712], sizes = [1, 128], strides = [1, 1]} : vector<1x8192xf32> to vector<1x128xf32>
    %broadcast_in_dim3A_340 = vector.shape_cast %slice3A_339 : vector<1x128xf32> to vector<1x128xf32>
    %broadcast_in_dim3A_341 = vector.broadcast %broadcast_in_dim3A_340 : vector<1x128xf32> to vector<256x128xf32>
    %sub3A_342 = arith.subf %broadcast_in_dim3A_7, %slice3A_338 : vector<256x128xf32>
    %add3A_343 = arith.addf %sub3A_342, %broadcast_in_dim3A_341 : vector<256x128xf32>
    %lt3A_344 = arith.cmpf olt, %add3A_343, %min3A_334 : vector<256x128xf32>
    %min3A_345 = arith.minimumf %min3A_334, %add3A_343 : vector<256x128xf32>
    %jit3A_346 = arith.constant 3712 : i32
    %broadcast_in_dim3A_347 = vector.broadcast %jit3A_346 : i32 to vector<256x128xi32>
    %select_n3A_348 = arith.select %lt3A_344, %broadcast_in_dim3A_347, %select_n3A_337 : vector<256x128xi1>, vector<256x128xi32>
    %slice3A_349 = vector.extract_strided_slice %dot_general3A_194 {offsets = [0, 1792], sizes = [256, 128], strides = [1, 1]} : vector<256x2048xf32> to vector<256x128xf32>
    %slice3A_350 = vector.extract_strided_slice %get3A_4 {offsets = [0, 3840], sizes = [1, 128], strides = [1, 1]} : vector<1x8192xf32> to vector<1x128xf32>
    %broadcast_in_dim3A_351 = vector.shape_cast %slice3A_350 : vector<1x128xf32> to vector<1x128xf32>
    %broadcast_in_dim3A_352 = vector.broadcast %broadcast_in_dim3A_351 : vector<1x128xf32> to vector<256x128xf32>
    %sub3A_353 = arith.subf %broadcast_in_dim3A_7, %slice3A_349 : vector<256x128xf32>
    %add3A_354 = arith.addf %sub3A_353, %broadcast_in_dim3A_352 : vector<256x128xf32>
    %lt3A_355 = arith.cmpf olt, %add3A_354, %min3A_345 : vector<256x128xf32>
    %min3A_356 = arith.minimumf %min3A_345, %add3A_354 : vector<256x128xf32>
    %jit3A_357 = arith.constant 3840 : i32
    %broadcast_in_dim3A_358 = vector.broadcast %jit3A_357 : i32 to vector<256x128xi32>
    %select_n3A_359 = arith.select %lt3A_355, %broadcast_in_dim3A_358, %select_n3A_348 : vector<256x128xi1>, vector<256x128xi32>
    %slice3A_360 = vector.extract_strided_slice %dot_general3A_194 {offsets = [0, 1920], sizes = [256, 128], strides = [1, 1]} : vector<256x2048xf32> to vector<256x128xf32>
    %slice3A_361 = vector.extract_strided_slice %get3A_4 {offsets = [0, 3968], sizes = [1, 128], strides = [1, 1]} : vector<1x8192xf32> to vector<1x128xf32>
    %broadcast_in_dim3A_362 = vector.shape_cast %slice3A_361 : vector<1x128xf32> to vector<1x128xf32>
    %broadcast_in_dim3A_363 = vector.broadcast %broadcast_in_dim3A_362 : vector<1x128xf32> to vector<256x128xf32>
    %sub3A_364 = arith.subf %broadcast_in_dim3A_7, %slice3A_360 : vector<256x128xf32>
    %add3A_365 = arith.addf %sub3A_364, %broadcast_in_dim3A_363 : vector<256x128xf32>
    %lt3A_366 = arith.cmpf olt, %add3A_365, %min3A_356 : vector<256x128xf32>
    %min3A_367 = arith.minimumf %min3A_356, %add3A_365 : vector<256x128xf32>
    %jit3A_368 = arith.constant 3968 : i32
    %broadcast_in_dim3A_369 = vector.broadcast %jit3A_368 : i32 to vector<256x128xi32>
    %select_n3A_370 = arith.select %lt3A_366, %broadcast_in_dim3A_369, %select_n3A_359 : vector<256x128xi1>, vector<256x128xi32>
    %get3A_371 = arith.constant 0 : index
    %get3A_372 = arith.constant 4096 : index
    %get3A_373 = vector.load %arg2[%get3A_371, %get3A_372] : memref<256x8192xf32, #tpu.memory_space<vmem>>, vector<256x2048xf32>
    %dot_general3A_374 = arith.constant dense<0.000000e+00> : vector<256x2048xf32>
    %dot_general3A_375 = tpu.matmul %get3A_1, %get3A_373, %dot_general3A_374 {dimension_numbers = #tpu.dot_dimension_numbers<[1], [0], [0], [1], [0, 0, 1, 1], [], []>, transpose_lhs_hint = false} : vector<256x256xf32>, vector<256x2048xf32>, vector<256x2048xf32> -> vector<256x2048xf32>
    %slice3A_376 = vector.extract_strided_slice %dot_general3A_375 {offsets = [0, 0], sizes = [256, 128], strides = [1, 1]} : vector<256x2048xf32> to vector<256x128xf32>
    %slice3A_377 = vector.extract_strided_slice %get3A_4 {offsets = [0, 4096], sizes = [1, 128], strides = [1, 1]} : vector<1x8192xf32> to vector<1x128xf32>
    %broadcast_in_dim3A_378 = vector.shape_cast %slice3A_377 : vector<1x128xf32> to vector<1x128xf32>
    %broadcast_in_dim3A_379 = vector.broadcast %broadcast_in_dim3A_378 : vector<1x128xf32> to vector<256x128xf32>
    %sub3A_380 = arith.subf %broadcast_in_dim3A_7, %slice3A_376 : vector<256x128xf32>
    %add3A_381 = arith.addf %sub3A_380, %broadcast_in_dim3A_379 : vector<256x128xf32>
    %lt3A_382 = arith.cmpf olt, %add3A_381, %min3A_367 : vector<256x128xf32>
    %min3A_383 = arith.minimumf %min3A_367, %add3A_381 : vector<256x128xf32>
    %jit3A_384 = arith.constant 4096 : i32
    %broadcast_in_dim3A_385 = vector.broadcast %jit3A_384 : i32 to vector<256x128xi32>
    %select_n3A_386 = arith.select %lt3A_382, %broadcast_in_dim3A_385, %select_n3A_370 : vector<256x128xi1>, vector<256x128xi32>
    %slice3A_387 = vector.extract_strided_slice %dot_general3A_375 {offsets = [0, 128], sizes = [256, 128], strides = [1, 1]} : vector<256x2048xf32> to vector<256x128xf32>
    %slice3A_388 = vector.extract_strided_slice %get3A_4 {offsets = [0, 4224], sizes = [1, 128], strides = [1, 1]} : vector<1x8192xf32> to vector<1x128xf32>
    %broadcast_in_dim3A_389 = vector.shape_cast %slice3A_388 : vector<1x128xf32> to vector<1x128xf32>
    %broadcast_in_dim3A_390 = vector.broadcast %broadcast_in_dim3A_389 : vector<1x128xf32> to vector<256x128xf32>
    %sub3A_391 = arith.subf %broadcast_in_dim3A_7, %slice3A_387 : vector<256x128xf32>
    %add3A_392 = arith.addf %sub3A_391, %broadcast_in_dim3A_390 : vector<256x128xf32>
    %lt3A_393 = arith.cmpf olt, %add3A_392, %min3A_383 : vector<256x128xf32>
    %min3A_394 = arith.minimumf %min3A_383, %add3A_392 : vector<256x128xf32>
    %jit3A_395 = arith.constant 4224 : i32
    %broadcast_in_dim3A_396 = vector.broadcast %jit3A_395 : i32 to vector<256x128xi32>
    %select_n3A_397 = arith.select %lt3A_393, %broadcast_in_dim3A_396, %select_n3A_386 : vector<256x128xi1>, vector<256x128xi32>
    %slice3A_398 = vector.extract_strided_slice %dot_general3A_375 {offsets = [0, 256], sizes = [256, 128], strides = [1, 1]} : vector<256x2048xf32> to vector<256x128xf32>
    %slice3A_399 = vector.extract_strided_slice %get3A_4 {offsets = [0, 4352], sizes = [1, 128], strides = [1, 1]} : vector<1x8192xf32> to vector<1x128xf32>
    %broadcast_in_dim3A_400 = vector.shape_cast %slice3A_399 : vector<1x128xf32> to vector<1x128xf32>
    %broadcast_in_dim3A_401 = vector.broadcast %broadcast_in_dim3A_400 : vector<1x128xf32> to vector<256x128xf32>
    %sub3A_402 = arith.subf %broadcast_in_dim3A_7, %slice3A_398 : vector<256x128xf32>
    %add3A_403 = arith.addf %sub3A_402, %broadcast_in_dim3A_401 : vector<256x128xf32>
    %lt3A_404 = arith.cmpf olt, %add3A_403, %min3A_394 : vector<256x128xf32>
    %min3A_405 = arith.minimumf %min3A_394, %add3A_403 : vector<256x128xf32>
    %jit3A_406 = arith.constant 4352 : i32
    %broadcast_in_dim3A_407 = vector.broadcast %jit3A_406 : i32 to vector<256x128xi32>
    %select_n3A_408 = arith.select %lt3A_404, %broadcast_in_dim3A_407, %select_n3A_397 : vector<256x128xi1>, vector<256x128xi32>
    %slice3A_409 = vector.extract_strided_slice %dot_general3A_375 {offsets = [0, 384], sizes = [256, 128], strides = [1, 1]} : vector<256x2048xf32> to vector<256x128xf32>
    %slice3A_410 = vector.extract_strided_slice %get3A_4 {offsets = [0, 4480], sizes = [1, 128], strides = [1, 1]} : vector<1x8192xf32> to vector<1x128xf32>
    %broadcast_in_dim3A_411 = vector.shape_cast %slice3A_410 : vector<1x128xf32> to vector<1x128xf32>
    %broadcast_in_dim3A_412 = vector.broadcast %broadcast_in_dim3A_411 : vector<1x128xf32> to vector<256x128xf32>
    %sub3A_413 = arith.subf %broadcast_in_dim3A_7, %slice3A_409 : vector<256x128xf32>
    %add3A_414 = arith.addf %sub3A_413, %broadcast_in_dim3A_412 : vector<256x128xf32>
    %lt3A_415 = arith.cmpf olt, %add3A_414, %min3A_405 : vector<256x128xf32>
    %min3A_416 = arith.minimumf %min3A_405, %add3A_414 : vector<256x128xf32>
    %jit3A_417 = arith.constant 4480 : i32
    %broadcast_in_dim3A_418 = vector.broadcast %jit3A_417 : i32 to vector<256x128xi32>
    %select_n3A_419 = arith.select %lt3A_415, %broadcast_in_dim3A_418, %select_n3A_408 : vector<256x128xi1>, vector<256x128xi32>
    %slice3A_420 = vector.extract_strided_slice %dot_general3A_375 {offsets = [0, 512], sizes = [256, 128], strides = [1, 1]} : vector<256x2048xf32> to vector<256x128xf32>
    %slice3A_421 = vector.extract_strided_slice %get3A_4 {offsets = [0, 4608], sizes = [1, 128], strides = [1, 1]} : vector<1x8192xf32> to vector<1x128xf32>
    %broadcast_in_dim3A_422 = vector.shape_cast %slice3A_421 : vector<1x128xf32> to vector<1x128xf32>
    %broadcast_in_dim3A_423 = vector.broadcast %broadcast_in_dim3A_422 : vector<1x128xf32> to vector<256x128xf32>
    %sub3A_424 = arith.subf %broadcast_in_dim3A_7, %slice3A_420 : vector<256x128xf32>
    %add3A_425 = arith.addf %sub3A_424, %broadcast_in_dim3A_423 : vector<256x128xf32>
    %lt3A_426 = arith.cmpf olt, %add3A_425, %min3A_416 : vector<256x128xf32>
    %min3A_427 = arith.minimumf %min3A_416, %add3A_425 : vector<256x128xf32>
    %jit3A_428 = arith.constant 4608 : i32
    %broadcast_in_dim3A_429 = vector.broadcast %jit3A_428 : i32 to vector<256x128xi32>
    %select_n3A_430 = arith.select %lt3A_426, %broadcast_in_dim3A_429, %select_n3A_419 : vector<256x128xi1>, vector<256x128xi32>
    %slice3A_431 = vector.extract_strided_slice %dot_general3A_375 {offsets = [0, 640], sizes = [256, 128], strides = [1, 1]} : vector<256x2048xf32> to vector<256x128xf32>
    %slice3A_432 = vector.extract_strided_slice %get3A_4 {offsets = [0, 4736], sizes = [1, 128], strides = [1, 1]} : vector<1x8192xf32> to vector<1x128xf32>
    %broadcast_in_dim3A_433 = vector.shape_cast %slice3A_432 : vector<1x128xf32> to vector<1x128xf32>
    %broadcast_in_dim3A_434 = vector.broadcast %broadcast_in_dim3A_433 : vector<1x128xf32> to vector<256x128xf32>
    %sub3A_435 = arith.subf %broadcast_in_dim3A_7, %slice3A_431 : vector<256x128xf32>
    %add3A_436 = arith.addf %sub3A_435, %broadcast_in_dim3A_434 : vector<256x128xf32>
    %lt3A_437 = arith.cmpf olt, %add3A_436, %min3A_427 : vector<256x128xf32>
    %min3A_438 = arith.minimumf %min3A_427, %add3A_436 : vector<256x128xf32>
    %jit3A_439 = arith.constant 4736 : i32
    %broadcast_in_dim3A_440 = vector.broadcast %jit3A_439 : i32 to vector<256x128xi32>
    %select_n3A_441 = arith.select %lt3A_437, %broadcast_in_dim3A_440, %select_n3A_430 : vector<256x128xi1>, vector<256x128xi32>
    %slice3A_442 = vector.extract_strided_slice %dot_general3A_375 {offsets = [0, 768], sizes = [256, 128], strides = [1, 1]} : vector<256x2048xf32> to vector<256x128xf32>
    %slice3A_443 = vector.extract_strided_slice %get3A_4 {offsets = [0, 4864], sizes = [1, 128], strides = [1, 1]} : vector<1x8192xf32> to vector<1x128xf32>
    %broadcast_in_dim3A_444 = vector.shape_cast %slice3A_443 : vector<1x128xf32> to vector<1x128xf32>
    %broadcast_in_dim3A_445 = vector.broadcast %broadcast_in_dim3A_444 : vector<1x128xf32> to vector<256x128xf32>
    %sub3A_446 = arith.subf %broadcast_in_dim3A_7, %slice3A_442 : vector<256x128xf32>
    %add3A_447 = arith.addf %sub3A_446, %broadcast_in_dim3A_445 : vector<256x128xf32>
    %lt3A_448 = arith.cmpf olt, %add3A_447, %min3A_438 : vector<256x128xf32>
    %min3A_449 = arith.minimumf %min3A_438, %add3A_447 : vector<256x128xf32>
    %jit3A_450 = arith.constant 4864 : i32
    %broadcast_in_dim3A_451 = vector.broadcast %jit3A_450 : i32 to vector<256x128xi32>
    %select_n3A_452 = arith.select %lt3A_448, %broadcast_in_dim3A_451, %select_n3A_441 : vector<256x128xi1>, vector<256x128xi32>
    %slice3A_453 = vector.extract_strided_slice %dot_general3A_375 {offsets = [0, 896], sizes = [256, 128], strides = [1, 1]} : vector<256x2048xf32> to vector<256x128xf32>
    %slice3A_454 = vector.extract_strided_slice %get3A_4 {offsets = [0, 4992], sizes = [1, 128], strides = [1, 1]} : vector<1x8192xf32> to vector<1x128xf32>
    %broadcast_in_dim3A_455 = vector.shape_cast %slice3A_454 : vector<1x128xf32> to vector<1x128xf32>
    %broadcast_in_dim3A_456 = vector.broadcast %broadcast_in_dim3A_455 : vector<1x128xf32> to vector<256x128xf32>
    %sub3A_457 = arith.subf %broadcast_in_dim3A_7, %slice3A_453 : vector<256x128xf32>
    %add3A_458 = arith.addf %sub3A_457, %broadcast_in_dim3A_456 : vector<256x128xf32>
    %lt3A_459 = arith.cmpf olt, %add3A_458, %min3A_449 : vector<256x128xf32>
    %min3A_460 = arith.minimumf %min3A_449, %add3A_458 : vector<256x128xf32>
    %jit3A_461 = arith.constant 4992 : i32
    %broadcast_in_dim3A_462 = vector.broadcast %jit3A_461 : i32 to vector<256x128xi32>
    %select_n3A_463 = arith.select %lt3A_459, %broadcast_in_dim3A_462, %select_n3A_452 : vector<256x128xi1>, vector<256x128xi32>
    %slice3A_464 = vector.extract_strided_slice %dot_general3A_375 {offsets = [0, 1024], sizes = [256, 128], strides = [1, 1]} : vector<256x2048xf32> to vector<256x128xf32>
    %slice3A_465 = vector.extract_strided_slice %get3A_4 {offsets = [0, 5120], sizes = [1, 128], strides = [1, 1]} : vector<1x8192xf32> to vector<1x128xf32>
    %broadcast_in_dim3A_466 = vector.shape_cast %slice3A_465 : vector<1x128xf32> to vector<1x128xf32>
    %broadcast_in_dim3A_467 = vector.broadcast %broadcast_in_dim3A_466 : vector<1x128xf32> to vector<256x128xf32>
    %sub3A_468 = arith.subf %broadcast_in_dim3A_7, %slice3A_464 : vector<256x128xf32>
    %add3A_469 = arith.addf %sub3A_468, %broadcast_in_dim3A_467 : vector<256x128xf32>
    %lt3A_470 = arith.cmpf olt, %add3A_469, %min3A_460 : vector<256x128xf32>
    %min3A_471 = arith.minimumf %min3A_460, %add3A_469 : vector<256x128xf32>
    %jit3A_472 = arith.constant 5120 : i32
    %broadcast_in_dim3A_473 = vector.broadcast %jit3A_472 : i32 to vector<256x128xi32>
    %select_n3A_474 = arith.select %lt3A_470, %broadcast_in_dim3A_473, %select_n3A_463 : vector<256x128xi1>, vector<256x128xi32>
    %slice3A_475 = vector.extract_strided_slice %dot_general3A_375 {offsets = [0, 1152], sizes = [256, 128], strides = [1, 1]} : vector<256x2048xf32> to vector<256x128xf32>
    %slice3A_476 = vector.extract_strided_slice %get3A_4 {offsets = [0, 5248], sizes = [1, 128], strides = [1, 1]} : vector<1x8192xf32> to vector<1x128xf32>
    %broadcast_in_dim3A_477 = vector.shape_cast %slice3A_476 : vector<1x128xf32> to vector<1x128xf32>
    %broadcast_in_dim3A_478 = vector.broadcast %broadcast_in_dim3A_477 : vector<1x128xf32> to vector<256x128xf32>
    %sub3A_479 = arith.subf %broadcast_in_dim3A_7, %slice3A_475 : vector<256x128xf32>
    %add3A_480 = arith.addf %sub3A_479, %broadcast_in_dim3A_478 : vector<256x128xf32>
    %lt3A_481 = arith.cmpf olt, %add3A_480, %min3A_471 : vector<256x128xf32>
    %min3A_482 = arith.minimumf %min3A_471, %add3A_480 : vector<256x128xf32>
    %jit3A_483 = arith.constant 5248 : i32
    %broadcast_in_dim3A_484 = vector.broadcast %jit3A_483 : i32 to vector<256x128xi32>
    %select_n3A_485 = arith.select %lt3A_481, %broadcast_in_dim3A_484, %select_n3A_474 : vector<256x128xi1>, vector<256x128xi32>
    %slice3A_486 = vector.extract_strided_slice %dot_general3A_375 {offsets = [0, 1280], sizes = [256, 128], strides = [1, 1]} : vector<256x2048xf32> to vector<256x128xf32>
    %slice3A_487 = vector.extract_strided_slice %get3A_4 {offsets = [0, 5376], sizes = [1, 128], strides = [1, 1]} : vector<1x8192xf32> to vector<1x128xf32>
    %broadcast_in_dim3A_488 = vector.shape_cast %slice3A_487 : vector<1x128xf32> to vector<1x128xf32>
    %broadcast_in_dim3A_489 = vector.broadcast %broadcast_in_dim3A_488 : vector<1x128xf32> to vector<256x128xf32>
    %sub3A_490 = arith.subf %broadcast_in_dim3A_7, %slice3A_486 : vector<256x128xf32>
    %add3A_491 = arith.addf %sub3A_490, %broadcast_in_dim3A_489 : vector<256x128xf32>
    %lt3A_492 = arith.cmpf olt, %add3A_491, %min3A_482 : vector<256x128xf32>
    %min3A_493 = arith.minimumf %min3A_482, %add3A_491 : vector<256x128xf32>
    %jit3A_494 = arith.constant 5376 : i32
    %broadcast_in_dim3A_495 = vector.broadcast %jit3A_494 : i32 to vector<256x128xi32>
    %select_n3A_496 = arith.select %lt3A_492, %broadcast_in_dim3A_495, %select_n3A_485 : vector<256x128xi1>, vector<256x128xi32>
    %slice3A_497 = vector.extract_strided_slice %dot_general3A_375 {offsets = [0, 1408], sizes = [256, 128], strides = [1, 1]} : vector<256x2048xf32> to vector<256x128xf32>
    %slice3A_498 = vector.extract_strided_slice %get3A_4 {offsets = [0, 5504], sizes = [1, 128], strides = [1, 1]} : vector<1x8192xf32> to vector<1x128xf32>
    %broadcast_in_dim3A_499 = vector.shape_cast %slice3A_498 : vector<1x128xf32> to vector<1x128xf32>
    %broadcast_in_dim3A_500 = vector.broadcast %broadcast_in_dim3A_499 : vector<1x128xf32> to vector<256x128xf32>
    %sub3A_501 = arith.subf %broadcast_in_dim3A_7, %slice3A_497 : vector<256x128xf32>
    %add3A_502 = arith.addf %sub3A_501, %broadcast_in_dim3A_500 : vector<256x128xf32>
    %lt3A_503 = arith.cmpf olt, %add3A_502, %min3A_493 : vector<256x128xf32>
    %min3A_504 = arith.minimumf %min3A_493, %add3A_502 : vector<256x128xf32>
    %jit3A_505 = arith.constant 5504 : i32
    %broadcast_in_dim3A_506 = vector.broadcast %jit3A_505 : i32 to vector<256x128xi32>
    %select_n3A_507 = arith.select %lt3A_503, %broadcast_in_dim3A_506, %select_n3A_496 : vector<256x128xi1>, vector<256x128xi32>
    %slice3A_508 = vector.extract_strided_slice %dot_general3A_375 {offsets = [0, 1536], sizes = [256, 128], strides = [1, 1]} : vector<256x2048xf32> to vector<256x128xf32>
    %slice3A_509 = vector.extract_strided_slice %get3A_4 {offsets = [0, 5632], sizes = [1, 128], strides = [1, 1]} : vector<1x8192xf32> to vector<1x128xf32>
    %broadcast_in_dim3A_510 = vector.shape_cast %slice3A_509 : vector<1x128xf32> to vector<1x128xf32>
    %broadcast_in_dim3A_511 = vector.broadcast %broadcast_in_dim3A_510 : vector<1x128xf32> to vector<256x128xf32>
    %sub3A_512 = arith.subf %broadcast_in_dim3A_7, %slice3A_508 : vector<256x128xf32>
    %add3A_513 = arith.addf %sub3A_512, %broadcast_in_dim3A_511 : vector<256x128xf32>
    %lt3A_514 = arith.cmpf olt, %add3A_513, %min3A_504 : vector<256x128xf32>
    %min3A_515 = arith.minimumf %min3A_504, %add3A_513 : vector<256x128xf32>
    %jit3A_516 = arith.constant 5632 : i32
    %broadcast_in_dim3A_517 = vector.broadcast %jit3A_516 : i32 to vector<256x128xi32>
    %select_n3A_518 = arith.select %lt3A_514, %broadcast_in_dim3A_517, %select_n3A_507 : vector<256x128xi1>, vector<256x128xi32>
    %slice3A_519 = vector.extract_strided_slice %dot_general3A_375 {offsets = [0, 1664], sizes = [256, 128], strides = [1, 1]} : vector<256x2048xf32> to vector<256x128xf32>
    %slice3A_520 = vector.extract_strided_slice %get3A_4 {offsets = [0, 5760], sizes = [1, 128], strides = [1, 1]} : vector<1x8192xf32> to vector<1x128xf32>
    %broadcast_in_dim3A_521 = vector.shape_cast %slice3A_520 : vector<1x128xf32> to vector<1x128xf32>
    %broadcast_in_dim3A_522 = vector.broadcast %broadcast_in_dim3A_521 : vector<1x128xf32> to vector<256x128xf32>
    %sub3A_523 = arith.subf %broadcast_in_dim3A_7, %slice3A_519 : vector<256x128xf32>
    %add3A_524 = arith.addf %sub3A_523, %broadcast_in_dim3A_522 : vector<256x128xf32>
    %lt3A_525 = arith.cmpf olt, %add3A_524, %min3A_515 : vector<256x128xf32>
    %min3A_526 = arith.minimumf %min3A_515, %add3A_524 : vector<256x128xf32>
    %jit3A_527 = arith.constant 5760 : i32
    %broadcast_in_dim3A_528 = vector.broadcast %jit3A_527 : i32 to vector<256x128xi32>
    %select_n3A_529 = arith.select %lt3A_525, %broadcast_in_dim3A_528, %select_n3A_518 : vector<256x128xi1>, vector<256x128xi32>
    %slice3A_530 = vector.extract_strided_slice %dot_general3A_375 {offsets = [0, 1792], sizes = [256, 128], strides = [1, 1]} : vector<256x2048xf32> to vector<256x128xf32>
    %slice3A_531 = vector.extract_strided_slice %get3A_4 {offsets = [0, 5888], sizes = [1, 128], strides = [1, 1]} : vector<1x8192xf32> to vector<1x128xf32>
    %broadcast_in_dim3A_532 = vector.shape_cast %slice3A_531 : vector<1x128xf32> to vector<1x128xf32>
    %broadcast_in_dim3A_533 = vector.broadcast %broadcast_in_dim3A_532 : vector<1x128xf32> to vector<256x128xf32>
    %sub3A_534 = arith.subf %broadcast_in_dim3A_7, %slice3A_530 : vector<256x128xf32>
    %add3A_535 = arith.addf %sub3A_534, %broadcast_in_dim3A_533 : vector<256x128xf32>
    %lt3A_536 = arith.cmpf olt, %add3A_535, %min3A_526 : vector<256x128xf32>
    %min3A_537 = arith.minimumf %min3A_526, %add3A_535 : vector<256x128xf32>
    %jit3A_538 = arith.constant 5888 : i32
    %broadcast_in_dim3A_539 = vector.broadcast %jit3A_538 : i32 to vector<256x128xi32>
    %select_n3A_540 = arith.select %lt3A_536, %broadcast_in_dim3A_539, %select_n3A_529 : vector<256x128xi1>, vector<256x128xi32>
    %slice3A_541 = vector.extract_strided_slice %dot_general3A_375 {offsets = [0, 1920], sizes = [256, 128], strides = [1, 1]} : vector<256x2048xf32> to vector<256x128xf32>
    %slice3A_542 = vector.extract_strided_slice %get3A_4 {offsets = [0, 6016], sizes = [1, 128], strides = [1, 1]} : vector<1x8192xf32> to vector<1x128xf32>
    %broadcast_in_dim3A_543 = vector.shape_cast %slice3A_542 : vector<1x128xf32> to vector<1x128xf32>
    %broadcast_in_dim3A_544 = vector.broadcast %broadcast_in_dim3A_543 : vector<1x128xf32> to vector<256x128xf32>
    %sub3A_545 = arith.subf %broadcast_in_dim3A_7, %slice3A_541 : vector<256x128xf32>
    %add3A_546 = arith.addf %sub3A_545, %broadcast_in_dim3A_544 : vector<256x128xf32>
    %lt3A_547 = arith.cmpf olt, %add3A_546, %min3A_537 : vector<256x128xf32>
    %min3A_548 = arith.minimumf %min3A_537, %add3A_546 : vector<256x128xf32>
    %jit3A_549 = arith.constant 6016 : i32
    %broadcast_in_dim3A_550 = vector.broadcast %jit3A_549 : i32 to vector<256x128xi32>
    %select_n3A_551 = arith.select %lt3A_547, %broadcast_in_dim3A_550, %select_n3A_540 : vector<256x128xi1>, vector<256x128xi32>
    %get3A_552 = arith.constant 0 : index
    %get3A_553 = arith.constant 6144 : index
    %get3A_554 = vector.load %arg2[%get3A_552, %get3A_553] : memref<256x8192xf32, #tpu.memory_space<vmem>>, vector<256x2048xf32>
    %dot_general3A_555 = arith.constant dense<0.000000e+00> : vector<256x2048xf32>
    %dot_general3A_556 = tpu.matmul %get3A_1, %get3A_554, %dot_general3A_555 {dimension_numbers = #tpu.dot_dimension_numbers<[1], [0], [0], [1], [0, 0, 1, 1], [], []>, transpose_lhs_hint = false} : vector<256x256xf32>, vector<256x2048xf32>, vector<256x2048xf32> -> vector<256x2048xf32>
    %slice3A_557 = vector.extract_strided_slice %dot_general3A_556 {offsets = [0, 0], sizes = [256, 128], strides = [1, 1]} : vector<256x2048xf32> to vector<256x128xf32>
    %slice3A_558 = vector.extract_strided_slice %get3A_4 {offsets = [0, 6144], sizes = [1, 128], strides = [1, 1]} : vector<1x8192xf32> to vector<1x128xf32>
    %broadcast_in_dim3A_559 = vector.shape_cast %slice3A_558 : vector<1x128xf32> to vector<1x128xf32>
    %broadcast_in_dim3A_560 = vector.broadcast %broadcast_in_dim3A_559 : vector<1x128xf32> to vector<256x128xf32>
    %sub3A_561 = arith.subf %broadcast_in_dim3A_7, %slice3A_557 : vector<256x128xf32>
    %add3A_562 = arith.addf %sub3A_561, %broadcast_in_dim3A_560 : vector<256x128xf32>
    %lt3A_563 = arith.cmpf olt, %add3A_562, %min3A_548 : vector<256x128xf32>
    %min3A_564 = arith.minimumf %min3A_548, %add3A_562 : vector<256x128xf32>
    %jit3A_565 = arith.constant 6144 : i32
    %broadcast_in_dim3A_566 = vector.broadcast %jit3A_565 : i32 to vector<256x128xi32>
    %select_n3A_567 = arith.select %lt3A_563, %broadcast_in_dim3A_566, %select_n3A_551 : vector<256x128xi1>, vector<256x128xi32>
    %slice3A_568 = vector.extract_strided_slice %dot_general3A_556 {offsets = [0, 128], sizes = [256, 128], strides = [1, 1]} : vector<256x2048xf32> to vector<256x128xf32>
    %slice3A_569 = vector.extract_strided_slice %get3A_4 {offsets = [0, 6272], sizes = [1, 128], strides = [1, 1]} : vector<1x8192xf32> to vector<1x128xf32>
    %broadcast_in_dim3A_570 = vector.shape_cast %slice3A_569 : vector<1x128xf32> to vector<1x128xf32>
    %broadcast_in_dim3A_571 = vector.broadcast %broadcast_in_dim3A_570 : vector<1x128xf32> to vector<256x128xf32>
    %sub3A_572 = arith.subf %broadcast_in_dim3A_7, %slice3A_568 : vector<256x128xf32>
    %add3A_573 = arith.addf %sub3A_572, %broadcast_in_dim3A_571 : vector<256x128xf32>
    %lt3A_574 = arith.cmpf olt, %add3A_573, %min3A_564 : vector<256x128xf32>
    %min3A_575 = arith.minimumf %min3A_564, %add3A_573 : vector<256x128xf32>
    %jit3A_576 = arith.constant 6272 : i32
    %broadcast_in_dim3A_577 = vector.broadcast %jit3A_576 : i32 to vector<256x128xi32>
    %select_n3A_578 = arith.select %lt3A_574, %broadcast_in_dim3A_577, %select_n3A_567 : vector<256x128xi1>, vector<256x128xi32>
    %slice3A_579 = vector.extract_strided_slice %dot_general3A_556 {offsets = [0, 256], sizes = [256, 128], strides = [1, 1]} : vector<256x2048xf32> to vector<256x128xf32>
    %slice3A_580 = vector.extract_strided_slice %get3A_4 {offsets = [0, 6400], sizes = [1, 128], strides = [1, 1]} : vector<1x8192xf32> to vector<1x128xf32>
    %broadcast_in_dim3A_581 = vector.shape_cast %slice3A_580 : vector<1x128xf32> to vector<1x128xf32>
    %broadcast_in_dim3A_582 = vector.broadcast %broadcast_in_dim3A_581 : vector<1x128xf32> to vector<256x128xf32>
    %sub3A_583 = arith.subf %broadcast_in_dim3A_7, %slice3A_579 : vector<256x128xf32>
    %add3A_584 = arith.addf %sub3A_583, %broadcast_in_dim3A_582 : vector<256x128xf32>
    %lt3A_585 = arith.cmpf olt, %add3A_584, %min3A_575 : vector<256x128xf32>
    %min3A_586 = arith.minimumf %min3A_575, %add3A_584 : vector<256x128xf32>
    %jit3A_587 = arith.constant 6400 : i32
    %broadcast_in_dim3A_588 = vector.broadcast %jit3A_587 : i32 to vector<256x128xi32>
    %select_n3A_589 = arith.select %lt3A_585, %broadcast_in_dim3A_588, %select_n3A_578 : vector<256x128xi1>, vector<256x128xi32>
    %slice3A_590 = vector.extract_strided_slice %dot_general3A_556 {offsets = [0, 384], sizes = [256, 128], strides = [1, 1]} : vector<256x2048xf32> to vector<256x128xf32>
    %slice3A_591 = vector.extract_strided_slice %get3A_4 {offsets = [0, 6528], sizes = [1, 128], strides = [1, 1]} : vector<1x8192xf32> to vector<1x128xf32>
    %broadcast_in_dim3A_592 = vector.shape_cast %slice3A_591 : vector<1x128xf32> to vector<1x128xf32>
    %broadcast_in_dim3A_593 = vector.broadcast %broadcast_in_dim3A_592 : vector<1x128xf32> to vector<256x128xf32>
    %sub3A_594 = arith.subf %broadcast_in_dim3A_7, %slice3A_590 : vector<256x128xf32>
    %add3A_595 = arith.addf %sub3A_594, %broadcast_in_dim3A_593 : vector<256x128xf32>
    %lt3A_596 = arith.cmpf olt, %add3A_595, %min3A_586 : vector<256x128xf32>
    %min3A_597 = arith.minimumf %min3A_586, %add3A_595 : vector<256x128xf32>
    %jit3A_598 = arith.constant 6528 : i32
    %broadcast_in_dim3A_599 = vector.broadcast %jit3A_598 : i32 to vector<256x128xi32>
    %select_n3A_600 = arith.select %lt3A_596, %broadcast_in_dim3A_599, %select_n3A_589 : vector<256x128xi1>, vector<256x128xi32>
    %slice3A_601 = vector.extract_strided_slice %dot_general3A_556 {offsets = [0, 512], sizes = [256, 128], strides = [1, 1]} : vector<256x2048xf32> to vector<256x128xf32>
    %slice3A_602 = vector.extract_strided_slice %get3A_4 {offsets = [0, 6656], sizes = [1, 128], strides = [1, 1]} : vector<1x8192xf32> to vector<1x128xf32>
    %broadcast_in_dim3A_603 = vector.shape_cast %slice3A_602 : vector<1x128xf32> to vector<1x128xf32>
    %broadcast_in_dim3A_604 = vector.broadcast %broadcast_in_dim3A_603 : vector<1x128xf32> to vector<256x128xf32>
    %sub3A_605 = arith.subf %broadcast_in_dim3A_7, %slice3A_601 : vector<256x128xf32>
    %add3A_606 = arith.addf %sub3A_605, %broadcast_in_dim3A_604 : vector<256x128xf32>
    %lt3A_607 = arith.cmpf olt, %add3A_606, %min3A_597 : vector<256x128xf32>
    %min3A_608 = arith.minimumf %min3A_597, %add3A_606 : vector<256x128xf32>
    %jit3A_609 = arith.constant 6656 : i32
    %broadcast_in_dim3A_610 = vector.broadcast %jit3A_609 : i32 to vector<256x128xi32>
    %select_n3A_611 = arith.select %lt3A_607, %broadcast_in_dim3A_610, %select_n3A_600 : vector<256x128xi1>, vector<256x128xi32>
    %slice3A_612 = vector.extract_strided_slice %dot_general3A_556 {offsets = [0, 640], sizes = [256, 128], strides = [1, 1]} : vector<256x2048xf32> to vector<256x128xf32>
    %slice3A_613 = vector.extract_strided_slice %get3A_4 {offsets = [0, 6784], sizes = [1, 128], strides = [1, 1]} : vector<1x8192xf32> to vector<1x128xf32>
    %broadcast_in_dim3A_614 = vector.shape_cast %slice3A_613 : vector<1x128xf32> to vector<1x128xf32>
    %broadcast_in_dim3A_615 = vector.broadcast %broadcast_in_dim3A_614 : vector<1x128xf32> to vector<256x128xf32>
    %sub3A_616 = arith.subf %broadcast_in_dim3A_7, %slice3A_612 : vector<256x128xf32>
    %add3A_617 = arith.addf %sub3A_616, %broadcast_in_dim3A_615 : vector<256x128xf32>
    %lt3A_618 = arith.cmpf olt, %add3A_617, %min3A_608 : vector<256x128xf32>
    %min3A_619 = arith.minimumf %min3A_608, %add3A_617 : vector<256x128xf32>
    %jit3A_620 = arith.constant 6784 : i32
    %broadcast_in_dim3A_621 = vector.broadcast %jit3A_620 : i32 to vector<256x128xi32>
    %select_n3A_622 = arith.select %lt3A_618, %broadcast_in_dim3A_621, %select_n3A_611 : vector<256x128xi1>, vector<256x128xi32>
    %slice3A_623 = vector.extract_strided_slice %dot_general3A_556 {offsets = [0, 768], sizes = [256, 128], strides = [1, 1]} : vector<256x2048xf32> to vector<256x128xf32>
    %slice3A_624 = vector.extract_strided_slice %get3A_4 {offsets = [0, 6912], sizes = [1, 128], strides = [1, 1]} : vector<1x8192xf32> to vector<1x128xf32>
    %broadcast_in_dim3A_625 = vector.shape_cast %slice3A_624 : vector<1x128xf32> to vector<1x128xf32>
    %broadcast_in_dim3A_626 = vector.broadcast %broadcast_in_dim3A_625 : vector<1x128xf32> to vector<256x128xf32>
    %sub3A_627 = arith.subf %broadcast_in_dim3A_7, %slice3A_623 : vector<256x128xf32>
    %add3A_628 = arith.addf %sub3A_627, %broadcast_in_dim3A_626 : vector<256x128xf32>
    %lt3A_629 = arith.cmpf olt, %add3A_628, %min3A_619 : vector<256x128xf32>
    %min3A_630 = arith.minimumf %min3A_619, %add3A_628 : vector<256x128xf32>
    %jit3A_631 = arith.constant 6912 : i32
    %broadcast_in_dim3A_632 = vector.broadcast %jit3A_631 : i32 to vector<256x128xi32>
    %select_n3A_633 = arith.select %lt3A_629, %broadcast_in_dim3A_632, %select_n3A_622 : vector<256x128xi1>, vector<256x128xi32>
    %slice3A_634 = vector.extract_strided_slice %dot_general3A_556 {offsets = [0, 896], sizes = [256, 128], strides = [1, 1]} : vector<256x2048xf32> to vector<256x128xf32>
    %slice3A_635 = vector.extract_strided_slice %get3A_4 {offsets = [0, 7040], sizes = [1, 128], strides = [1, 1]} : vector<1x8192xf32> to vector<1x128xf32>
    %broadcast_in_dim3A_636 = vector.shape_cast %slice3A_635 : vector<1x128xf32> to vector<1x128xf32>
    %broadcast_in_dim3A_637 = vector.broadcast %broadcast_in_dim3A_636 : vector<1x128xf32> to vector<256x128xf32>
    %sub3A_638 = arith.subf %broadcast_in_dim3A_7, %slice3A_634 : vector<256x128xf32>
    %add3A_639 = arith.addf %sub3A_638, %broadcast_in_dim3A_637 : vector<256x128xf32>
    %lt3A_640 = arith.cmpf olt, %add3A_639, %min3A_630 : vector<256x128xf32>
    %min3A_641 = arith.minimumf %min3A_630, %add3A_639 : vector<256x128xf32>
    %jit3A_642 = arith.constant 7040 : i32
    %broadcast_in_dim3A_643 = vector.broadcast %jit3A_642 : i32 to vector<256x128xi32>
    %select_n3A_644 = arith.select %lt3A_640, %broadcast_in_dim3A_643, %select_n3A_633 : vector<256x128xi1>, vector<256x128xi32>
    %slice3A_645 = vector.extract_strided_slice %dot_general3A_556 {offsets = [0, 1024], sizes = [256, 128], strides = [1, 1]} : vector<256x2048xf32> to vector<256x128xf32>
    %slice3A_646 = vector.extract_strided_slice %get3A_4 {offsets = [0, 7168], sizes = [1, 128], strides = [1, 1]} : vector<1x8192xf32> to vector<1x128xf32>
    %broadcast_in_dim3A_647 = vector.shape_cast %slice3A_646 : vector<1x128xf32> to vector<1x128xf32>
    %broadcast_in_dim3A_648 = vector.broadcast %broadcast_in_dim3A_647 : vector<1x128xf32> to vector<256x128xf32>
    %sub3A_649 = arith.subf %broadcast_in_dim3A_7, %slice3A_645 : vector<256x128xf32>
    %add3A_650 = arith.addf %sub3A_649, %broadcast_in_dim3A_648 : vector<256x128xf32>
    %lt3A_651 = arith.cmpf olt, %add3A_650, %min3A_641 : vector<256x128xf32>
    %min3A_652 = arith.minimumf %min3A_641, %add3A_650 : vector<256x128xf32>
    %jit3A_653 = arith.constant 7168 : i32
    %broadcast_in_dim3A_654 = vector.broadcast %jit3A_653 : i32 to vector<256x128xi32>
    %select_n3A_655 = arith.select %lt3A_651, %broadcast_in_dim3A_654, %select_n3A_644 : vector<256x128xi1>, vector<256x128xi32>
    %slice3A_656 = vector.extract_strided_slice %dot_general3A_556 {offsets = [0, 1152], sizes = [256, 128], strides = [1, 1]} : vector<256x2048xf32> to vector<256x128xf32>
    %slice3A_657 = vector.extract_strided_slice %get3A_4 {offsets = [0, 7296], sizes = [1, 128], strides = [1, 1]} : vector<1x8192xf32> to vector<1x128xf32>
    %broadcast_in_dim3A_658 = vector.shape_cast %slice3A_657 : vector<1x128xf32> to vector<1x128xf32>
    %broadcast_in_dim3A_659 = vector.broadcast %broadcast_in_dim3A_658 : vector<1x128xf32> to vector<256x128xf32>
    %sub3A_660 = arith.subf %broadcast_in_dim3A_7, %slice3A_656 : vector<256x128xf32>
    %add3A_661 = arith.addf %sub3A_660, %broadcast_in_dim3A_659 : vector<256x128xf32>
    %lt3A_662 = arith.cmpf olt, %add3A_661, %min3A_652 : vector<256x128xf32>
    %min3A_663 = arith.minimumf %min3A_652, %add3A_661 : vector<256x128xf32>
    %jit3A_664 = arith.constant 7296 : i32
    %broadcast_in_dim3A_665 = vector.broadcast %jit3A_664 : i32 to vector<256x128xi32>
    %select_n3A_666 = arith.select %lt3A_662, %broadcast_in_dim3A_665, %select_n3A_655 : vector<256x128xi1>, vector<256x128xi32>
    %slice3A_667 = vector.extract_strided_slice %dot_general3A_556 {offsets = [0, 1280], sizes = [256, 128], strides = [1, 1]} : vector<256x2048xf32> to vector<256x128xf32>
    %slice3A_668 = vector.extract_strided_slice %get3A_4 {offsets = [0, 7424], sizes = [1, 128], strides = [1, 1]} : vector<1x8192xf32> to vector<1x128xf32>
    %broadcast_in_dim3A_669 = vector.shape_cast %slice3A_668 : vector<1x128xf32> to vector<1x128xf32>
    %broadcast_in_dim3A_670 = vector.broadcast %broadcast_in_dim3A_669 : vector<1x128xf32> to vector<256x128xf32>
    %sub3A_671 = arith.subf %broadcast_in_dim3A_7, %slice3A_667 : vector<256x128xf32>
    %add3A_672 = arith.addf %sub3A_671, %broadcast_in_dim3A_670 : vector<256x128xf32>
    %lt3A_673 = arith.cmpf olt, %add3A_672, %min3A_663 : vector<256x128xf32>
    %min3A_674 = arith.minimumf %min3A_663, %add3A_672 : vector<256x128xf32>
    %jit3A_675 = arith.constant 7424 : i32
    %broadcast_in_dim3A_676 = vector.broadcast %jit3A_675 : i32 to vector<256x128xi32>
    %select_n3A_677 = arith.select %lt3A_673, %broadcast_in_dim3A_676, %select_n3A_666 : vector<256x128xi1>, vector<256x128xi32>
    %slice3A_678 = vector.extract_strided_slice %dot_general3A_556 {offsets = [0, 1408], sizes = [256, 128], strides = [1, 1]} : vector<256x2048xf32> to vector<256x128xf32>
    %slice3A_679 = vector.extract_strided_slice %get3A_4 {offsets = [0, 7552], sizes = [1, 128], strides = [1, 1]} : vector<1x8192xf32> to vector<1x128xf32>
    %broadcast_in_dim3A_680 = vector.shape_cast %slice3A_679 : vector<1x128xf32> to vector<1x128xf32>
    %broadcast_in_dim3A_681 = vector.broadcast %broadcast_in_dim3A_680 : vector<1x128xf32> to vector<256x128xf32>
    %sub3A_682 = arith.subf %broadcast_in_dim3A_7, %slice3A_678 : vector<256x128xf32>
    %add3A_683 = arith.addf %sub3A_682, %broadcast_in_dim3A_681 : vector<256x128xf32>
    %lt3A_684 = arith.cmpf olt, %add3A_683, %min3A_674 : vector<256x128xf32>
    %min3A_685 = arith.minimumf %min3A_674, %add3A_683 : vector<256x128xf32>
    %jit3A_686 = arith.constant 7552 : i32
    %broadcast_in_dim3A_687 = vector.broadcast %jit3A_686 : i32 to vector<256x128xi32>
    %select_n3A_688 = arith.select %lt3A_684, %broadcast_in_dim3A_687, %select_n3A_677 : vector<256x128xi1>, vector<256x128xi32>
    %slice3A_689 = vector.extract_strided_slice %dot_general3A_556 {offsets = [0, 1536], sizes = [256, 128], strides = [1, 1]} : vector<256x2048xf32> to vector<256x128xf32>
    %slice3A_690 = vector.extract_strided_slice %get3A_4 {offsets = [0, 7680], sizes = [1, 128], strides = [1, 1]} : vector<1x8192xf32> to vector<1x128xf32>
    %broadcast_in_dim3A_691 = vector.shape_cast %slice3A_690 : vector<1x128xf32> to vector<1x128xf32>
    %broadcast_in_dim3A_692 = vector.broadcast %broadcast_in_dim3A_691 : vector<1x128xf32> to vector<256x128xf32>
    %sub3A_693 = arith.subf %broadcast_in_dim3A_7, %slice3A_689 : vector<256x128xf32>
    %add3A_694 = arith.addf %sub3A_693, %broadcast_in_dim3A_692 : vector<256x128xf32>
    %lt3A_695 = arith.cmpf olt, %add3A_694, %min3A_685 : vector<256x128xf32>
    %min3A_696 = arith.minimumf %min3A_685, %add3A_694 : vector<256x128xf32>
    %jit3A_697 = arith.constant 7680 : i32
    %broadcast_in_dim3A_698 = vector.broadcast %jit3A_697 : i32 to vector<256x128xi32>
    %select_n3A_699 = arith.select %lt3A_695, %broadcast_in_dim3A_698, %select_n3A_688 : vector<256x128xi1>, vector<256x128xi32>
    %slice3A_700 = vector.extract_strided_slice %dot_general3A_556 {offsets = [0, 1664], sizes = [256, 128], strides = [1, 1]} : vector<256x2048xf32> to vector<256x128xf32>
    %slice3A_701 = vector.extract_strided_slice %get3A_4 {offsets = [0, 7808], sizes = [1, 128], strides = [1, 1]} : vector<1x8192xf32> to vector<1x128xf32>
    %broadcast_in_dim3A_702 = vector.shape_cast %slice3A_701 : vector<1x128xf32> to vector<1x128xf32>
    %broadcast_in_dim3A_703 = vector.broadcast %broadcast_in_dim3A_702 : vector<1x128xf32> to vector<256x128xf32>
    %sub3A_704 = arith.subf %broadcast_in_dim3A_7, %slice3A_700 : vector<256x128xf32>
    %add3A_705 = arith.addf %sub3A_704, %broadcast_in_dim3A_703 : vector<256x128xf32>
    %lt3A_706 = arith.cmpf olt, %add3A_705, %min3A_696 : vector<256x128xf32>
    %min3A_707 = arith.minimumf %min3A_696, %add3A_705 : vector<256x128xf32>
    %jit3A_708 = arith.constant 7808 : i32
    %broadcast_in_dim3A_709 = vector.broadcast %jit3A_708 : i32 to vector<256x128xi32>
    %select_n3A_710 = arith.select %lt3A_706, %broadcast_in_dim3A_709, %select_n3A_699 : vector<256x128xi1>, vector<256x128xi32>
    %slice3A_711 = vector.extract_strided_slice %dot_general3A_556 {offsets = [0, 1792], sizes = [256, 128], strides = [1, 1]} : vector<256x2048xf32> to vector<256x128xf32>
    %slice3A_712 = vector.extract_strided_slice %get3A_4 {offsets = [0, 7936], sizes = [1, 128], strides = [1, 1]} : vector<1x8192xf32> to vector<1x128xf32>
    %broadcast_in_dim3A_713 = vector.shape_cast %slice3A_712 : vector<1x128xf32> to vector<1x128xf32>
    %broadcast_in_dim3A_714 = vector.broadcast %broadcast_in_dim3A_713 : vector<1x128xf32> to vector<256x128xf32>
    %sub3A_715 = arith.subf %broadcast_in_dim3A_7, %slice3A_711 : vector<256x128xf32>
    %add3A_716 = arith.addf %sub3A_715, %broadcast_in_dim3A_714 : vector<256x128xf32>
    %lt3A_717 = arith.cmpf olt, %add3A_716, %min3A_707 : vector<256x128xf32>
    %min3A_718 = arith.minimumf %min3A_707, %add3A_716 : vector<256x128xf32>
    %jit3A_719 = arith.constant 7936 : i32
    %broadcast_in_dim3A_720 = vector.broadcast %jit3A_719 : i32 to vector<256x128xi32>
    %select_n3A_721 = arith.select %lt3A_717, %broadcast_in_dim3A_720, %select_n3A_710 : vector<256x128xi1>, vector<256x128xi32>
    %slice3A_722 = vector.extract_strided_slice %dot_general3A_556 {offsets = [0, 1920], sizes = [256, 128], strides = [1, 1]} : vector<256x2048xf32> to vector<256x128xf32>
    %slice3A_723 = vector.extract_strided_slice %get3A_4 {offsets = [0, 8064], sizes = [1, 128], strides = [1, 1]} : vector<1x8192xf32> to vector<1x128xf32>
    %broadcast_in_dim3A_724 = vector.shape_cast %slice3A_723 : vector<1x128xf32> to vector<1x128xf32>
    %broadcast_in_dim3A_725 = vector.broadcast %broadcast_in_dim3A_724 : vector<1x128xf32> to vector<256x128xf32>
    %sub3A_726 = arith.subf %broadcast_in_dim3A_7, %slice3A_722 : vector<256x128xf32>
    %add3A_727 = arith.addf %sub3A_726, %broadcast_in_dim3A_725 : vector<256x128xf32>
    %lt3A_728 = arith.cmpf olt, %add3A_727, %min3A_718 : vector<256x128xf32>
    %min3A_729 = arith.minimumf %min3A_718, %add3A_727 : vector<256x128xf32>
    %jit3A_730 = arith.constant 8064 : i32
    %broadcast_in_dim3A_731 = vector.broadcast %jit3A_730 : i32 to vector<256x128xi32>
    %select_n3A_732 = arith.select %lt3A_728, %broadcast_in_dim3A_731, %select_n3A_721 : vector<256x128xi1>, vector<256x128xi32>
    %reduce_min3A = arith.constant dense<0x7F800000> : vector<256xf32>
    %reduce_min3A_733 = vector.multi_reduction <minimumf>, %min3A_729, %reduce_min3A [1] : vector<256x128xf32> to vector<256xf32>
    %iota3A = tpu.iota {dimensions = array<i32: 1>} : vector<256x128xi32>
    %add3A_734 = arith.addi %select_n3A_732, %iota3A : vector<256x128xi32>
    %broadcast_in_dim3A_735 = vector.shape_cast %reduce_min3A_733 : vector<256xf32> to vector<256x1xf32>
    %eq3A = vector.broadcast %broadcast_in_dim3A_735 : vector<256x1xf32> to vector<256x128xf32>
    %eq3A_736 = arith.cmpf oeq, %min3A_729, %eq3A : vector<256x128xf32>
    %jit3A_737 = arith.constant 8192 : i32
    %broadcast_in_dim3A_738 = vector.broadcast %jit3A_737 : i32 to vector<256x128xi32>
    %select_n3A_739 = arith.select %eq3A_736, %add3A_734, %broadcast_in_dim3A_738 : vector<256x128xi1>, vector<256x128xi32>
    %reduce_min3A_740 = arith.constant dense<2147483647> : vector<256xi32>
    %reduce_min3A_741 = vector.multi_reduction <minsi>, %select_n3A_739, %reduce_min3A_740 [1] : vector<256x128xi32> to vector<256xi32>
    %swap3A_742 = arith.constant 0 : index
    %swap3A_743 = vector.load %arg4[%swap3A_742] : memref<256xi32, #tpu.memory_space<vmem>>, vector<256xi32>
    tpu.vector_store %arg4[%swap3A_742], %reduce_min3A_741 {strides = array<i32>} : memref<256xi32, #tpu.memory_space<vmem>>, vector<256xi32>,
    %swap3A_744 = arith.constant 0 : index
    %swap3A_745 = vector.load %arg5[%swap3A_744] : memref<256xf32, #tpu.memory_space<vmem>>, vector<256xf32>
    tpu.vector_store %arg5[%swap3A_744], %reduce_min3A_733 {strides = array<i32>} : memref<256xf32, #tpu.memory_space<vmem>>, vector<256xf32>,
    return
  }
  func.func @transform_0(%arg0: i32) -> (i32, i32) {
    %c0_i32 = arith.constant 0 : i32
    %c0_i32_0 = arith.constant 0 : i32
    return %arg0, %c0_i32 : i32, i32
  }
  func.func @transform_1(%arg0: i32) -> (i32, i32) {
    %c0_i32 = arith.constant 0 : i32
    %c0_i32_0 = arith.constant 0 : i32
    %c0_i32_1 = arith.constant 0 : i32
    return %c0_i32, %c0_i32_0 : i32, i32
  }
  func.func @transform_2(%arg0: i32) -> (i32, i32) {
    %c0_i32 = arith.constant 0 : i32
    %c0_i32_0 = arith.constant 0 : i32
    %c0_i32_1 = arith.constant 0 : i32
    return %c0_i32, %c0_i32_0 : i32, i32
  }
  func.func @transform_3(%arg0: i32) -> i32 {
    %c0_i32 = arith.constant 0 : i32
    return %arg0 : i32
  }
  func.func @transform_4(%arg0: i32) -> i32 {
    %c0_i32 = arith.constant 0 : i32
    return %arg0 : i32
  }
  func.func @transform_5(%arg0: i32) -> i32 {
    %c0_i32 = arith.constant 0 : i32
    return %arg0 : i32
  }
  func.func @transform_6(%arg0: i32) -> i32 {
    %c0_i32 = arith.constant 0 : i32
    return %arg0 : i32
  }
}

</mosaic_0001>

<sc_bundles>
// kernel: kernel.4.cloned.1.call-start
scs
__scs_entry_jumppad:
0x0: {  	(pc) =	sbr.rel $0x88, $3  }
0x1: {  	(tag) =	ssettag $0x0;
	lr =	simm.s32 $0x1  }
0x2: {  	[smem:$0x3F9F] =	sst lr;
	_ =	strace $0xD0000000  }
0x3: {  	_ = 	snop  }
0x4: {  	_ = 	snop  }
0x5: {  	_ = 	snop  }
0x6: {  	_ = 	snop  }
0x7: {  	_ = 	snop  }
__scs_overlays_trampoline_lowered:
0x8: {  	[smem:$0x3FAE] =	sst s0  }
0x9: {  	[smem:$0x3FAF] =	sst s1  }
0xa: {  	[smem:$0x3FB0] =	sst s2  }
0xb: {  	[smem:$0x3FB1] =	sst s3  }
0xc: {  	[smem:$0x3FB2] =	sst s4  }
0xd: {  	[smem:$0x3FB3] =	sst s5  }
0xe: {  	[smem:$0x3FB4] =	sst s6  }
0xf: {  	[smem:$0x3FB5] =	sst s7  }
0x10: {  	[smem:$0x3FB6] =	sst s8  }
0x11: {  	[smem:$0x3FB7] =	sst s9;
	s0 =	simm.s32 @!p0 $0x0  }
0x12: {  	s1 =	sld [smem:$0x3F9D];
	s0 =	simm.s32 @p0 $0x1  }
0x13: {  	[smem:$0x3FB8] =	sst s0;
	s0 =	simm.s32 @!p1 $0x0  }
0x14: {  	s2 =	sld [smem:$0x3F9C];
	s0 =	simm.s32 @p1 $0x1  }
0x15: {  	[smem:$0x3FB9] =	sst s0;
	s0 =	simm.s32 @!p2 $0x0  }
0x16: {  	s3 =	sld [smem:$0x3FDB];
	s0 =	simm.s32 @p2 $0x1  }
0x17: {  	s4 =	simm.s32 $0x1BF5;
	[smem:$0x3FBB] =	sst s0  }
0x18: {  	s0 =	sld [smem:$0x3F9E];
	_ =	swait.ge [sflag:s4], $0x0  }
0x19: {  	s7 =	sld [smem:$0x3F9F]  }
0x1a: {  	s8 =	sadd.s32 $0xFFFFE003, lr  }
0x1b: {  	s9 =	sadd.s32 $0xFFFFFEF7, lr;
	s5 =	simm.s32 $0xFFFFFFFF;
	p2 =	slt.u32 s8, $0xFFFFF086  }
0x1c: {  	p1 =	slt.u32 s9, $0xF7A;
	s5 =	simm.s32 @!p2 $0x0  }
0x1d: {  	s5 =	simm.s32 @p1 $0x1;
	p0 =	seq.s32 s7, s2  }
0x1e: {  	s7 =	smul.u32 @!p0 $0xF7A, s2;
	p2 =	seq.s32 @!p0 s5, $0x0  }
0x1f: {  	s9 =	smul.u32 $0xF7A, s1;
	s8 =	simm.s32 @!p0 $0x1BF5;
	p2 =	por !p2, p0  }
0x20: {  	[sflag:s8] =	ssyncset.s32 @!p0 $0xFFFFF086;
	s6 =	sadd.s32 @!p0 s3, s7;
	s7 =	simm.s32 @!p0 $0x108  }
0x21: {  	s3 =	sadd.s32 s3, s9;
	s6 =	sadd.s32 @!p0 $0x88, s6;
	s7 =	simm.s32 @p2 $0x1082  }
0x22: {  	[simem:s7], [sflag:s8] =	dma.local @!p0 [hbm:s6], $0xF7A  }
0x23: {  	s9 =	sor.u32 $0xD0000000, s2;
	s6 =	simm.s32 $0x108;
	_ =	swait.ge @!p0 [sflag:s8], $0x0  }
0x24: {  	s3 =	sadd.s32 $0x88, s3;
	s6 =	simm.s32 @!p1 $0x1082;
	[sflag:s4] =	ssyncset.s32 $0xFFFFF086  }
0x25: {  	[simem:s6], [sflag:s4] =	dma.local [hbm:s3], $0xF7A  }
0x26: {  	[smem:$0x3F9F] =	sst s1;
	(tag) =	ssettag s2;
	_ =	strace s9  }
0x27: {  	s1 =	sld [smem:$0x3FAF]  }
0x28: {  	s2 =	sld [smem:$0x3FB0]  }
0x29: {  	s4 =	sld [smem:$0x3FB2]  }
0x2a: {  	p0 =	seq.s32 s5, $0x0;
	s5 =	sld [smem:$0x3FB3]  }
0x2b: {  	s6 =	sld [smem:$0x3FB4]  }
0x2c: {  	s7 =	sld [smem:$0x3FB5]  }
0x2d: {  	s3 =	simm.s32 $0x108;
	s8 =	sld [smem:$0x3FB6]  }
0x2e: {  	s3 =	simm.s32 @!p0 $0x1082;
	s9 =	sld [smem:$0x3FB7]  }
0x2f: {  	lr =	sadd.s32 s0, s3;
	s0 =	sld [smem:$0x3FAE]  }
0x30: {  	s3 =	sld [smem:$0x3FB1]  }
0x31: {  	[smem:$0x3FBA] =	sst s10  }
0x32: {  	s10 =	sld [smem:$0x3FB8];
	_ =	sdelay $0x3  }
0x33: {  	p0 =	seq.s32 s10, $0x1;
	s10 =	sld [smem:$0x3FBA];
	_ =	sdelay $0x3  }
0x34: {  	[smem:$0x3FBA] =	sst s10  }
0x35: {  	s10 =	sld [smem:$0x3FB9];
	_ =	sdelay $0x3  }
0x36: {  	p1 =	seq.s32 s10, $0x1;
	s10 =	sld [smem:$0x3FBA];
	_ =	sdelay $0x3  }
0x37: {  	[smem:$0x3FBA] =	sst s10  }
0x38: {  	s10 =	sld [smem:$0x3FBB]  }
0x39: {  	_ = 	snop;
	(pc) =	sbr.ind lr, $3  }
0x3a: {  	_ = 	snop  }
0x3b: {  	_ = 	snop  }
0x3c: {  	p2 =	seq.s32 s10, $0x1;
	s10 =	sld [smem:$0x3FBA]  }
0x3d: {  	_ =	shalt  }
0x3e: {  	_ =	shalt  }
0x3f: {  	_ =	shalt  }
0x40: {  	_ =	shalt  }
0x41: {  	_ =	shalt  }
0x42: {  	_ =	shalt  }
0x43: {  	_ =	shalt  }
0x44: {  	_ =	shalt  }
0x45: {  	_ =	shalt  }
0x46: {  	_ =	shalt  }
0x47: {  	_ =	shalt  }
0x48: {  	_ =	shalt  }
0x49: {  	_ =	shalt  }
0x4a: {  	_ =	shalt  }
0x4b: {  	_ =	shalt  }
0x4c: {  	_ =	shalt  }
0x4d: {  	_ =	shalt  }
0x4e: {  	_ =	shalt  }
0x4f: {  	_ =	shalt  }
0x50: {  	_ =	shalt  }
0x51: {  	_ =	shalt  }
0x52: {  	_ =	shalt  }
0x53: {  	_ =	shalt  }
0x54: {  	_ =	shalt  }
0x55: {  	_ =	shalt  }
0x56: {  	_ =	shalt  }
0x57: {  	_ =	shalt  }
0x58: {  	_ =	shalt  }
0x59: {  	_ =	shalt  }
0x5a: {  	_ =	shalt  }
0x5b: {  	_ =	shalt  }
0x5c: {  	_ =	shalt  }
0x5d: {  	_ =	shalt  }
0x5e: {  	_ =	shalt  }
0x5f: {  	_ =	shalt  }
0x60: {  	_ =	shalt  }
0x61: {  	_ =	shalt  }
0x62: {  	_ =	shalt  }
0x63: {  	_ =	shalt  }
0x64: {  	_ =	shalt  }
0x65: {  	_ =	shalt  }
0x66: {  	_ =	shalt  }
0x67: {  	_ =	shalt  }
0x68: {  	_ =	shalt  }
0x69: {  	_ =	shalt  }
0x6a: {  	_ =	shalt  }
0x6b: {  	_ =	shalt  }
0x6c: {  	_ =	shalt  }
0x6d: {  	_ =	shalt  }
0x6e: {  	_ =	shalt  }
0x6f: {  	_ =	shalt  }
0x70: {  	_ =	shalt  }
0x71: {  	_ =	shalt  }
0x72: {  	_ =	shalt  }
0x73: {  	_ =	shalt  }
0x74: {  	_ =	shalt  }
0x75: {  	_ =	shalt  }
0x76: {  	_ =	shalt  }
0x77: {  	_ =	shalt  }
0x78: {  	_ =	shalt  }
0x79: {  	_ =	shalt  }
0x7a: {  	_ =	shalt  }
0x7b: {  	_ =	shalt  }
0x7c: {  	_ =	shalt  }
0x7d: {  	_ =	shalt  }
0x7e: {  	_ =	shalt  }
0x7f: {  	_ =	shalt  }
0x80: {  	_ =	shalt  }
0x81: {  	_ =	shalt  }
0x82: {  	_ =	shalt  }
0x83: {  	_ =	shalt  }
0x84: {  	_ =	shalt  }
0x85: {  	_ =	shalt  }
0x86: {  	_ =	shalt  }
0x87: {  	_ =	shalt  }
.Lfunc_end0:
.L_simem_size_0:
called_computation_lowered:
.L_overlay_start_0:
0x88: {  	s2 =	sld [smem:$0x3FD9]  }
0x89: {  	s3 =	sld [smem:$0x3FFE];
	_ =	sdelay $0x1  }
0x8a: {  	s1 =	srdreg.scid  }
0x8b: {  	s0 =	sand.u32 $0x1, s1  }
0x8c: {  	s14 =	sshll.u32 s0, $0xA;
	s2 =	sadd.s32 s3, s2  }
0x8d: {  	s2 =	sadd.s32 s2, s14  }
0x8e: {  	[smem:$0x3FC6] =	sst s2  }
0x8f: {  	_ = 	snop  }
0x90: {  	s2 =	sld [smem:$0x3FD0];
	_ =	sdelay $0x2  }
0x91: {  	s4 =	simm.s32 $0xA;
	s5 =	simm.s32 $0x10;
	s15 =	sld [smem:$0x3FC8]  }
0x92: {  	[smem:s5], [sflag:s4] =	dma.local [hbm:s2], $0x1  }
0x93: {  	_ =	swait.eq [sflag:s4], $0x1  }
0x94: {  	[sflag:s4] =	ssyncset.done $0x0  }
0x95: {  	[sflag:s4] =	ssyncadd.s32 $0xFFFFFFFF  }
0x96: {  	s16 =	sld [smem:$0x10];
	(tm) =	ssettm $0x1  }
0x97: {  	s17 =	sld [smem:$0x3FFB];
	_ =	sdelay $0x3  }
0x98: {  	_ =	strace s17  }
0x99: {  	s4 =	sld [smem:$0x3FFC];
	_ =	sdelay $0x3  }
0x9a: {  	_ =	strace s4  }
0x9b: {  	s4 =	sld [smem:$0x3FFD];
	_ =	sdelay $0x3  }
0x9c: {  	_ =	strace s4  }
0x9d: {  	_ =	strace $0x8FFFFFFF  }
0x9e: {  	s18 =	sld [smem:$0x3FDB];
	_ =	sdelay $0x1  }
0x9f: {  	s19 =	simm.s32 $_scs_section_size  }
0xa0: {  	s6 =	simm.s32 $_size__tile_overlayer_lowered;
	s7 =	simm.s32 $_tile_overlayer_lowered  }
0xa1: {  	s22 =	simm.s32 $0x1BFF;
	s21 =	sshll.u32 s7, $0x1;
	s4 =	sadd.s32 s19, s18  }
0xa2: {  	s8 =	simm.s32 $0x0;
	s20 =	sshll.u32 s6, $0x1;
	s6 =	sadd.s32 s21, s4  }
0xa3: {  	[timem:s8], [sflag:s22] =	dma.local [hbm:s6], s20  }
0xa4: {  	_ =	swait.ge [sflag:s22], s20  }
0xa5: {  	s5 =	ssub.s32 $0x0, s20;
	[sflag:s22] =	ssyncset.done $0x0  }
0xa6: {  	[sflag:s22] =	ssyncadd.s32 s5;
	_ =	sdelay $0x1  }
0xa7: {  	s23 =	simm.s32 $0x1B8B  }
0xa8: {  	_ =	swait.ge [sflag:s23], $0x1  }
0xa9: {  	[sflag:s23] =	ssyncset.done $0x0  }
0xaa: {  	s25 =	simm.s32 $0x1B8E;
	s24 =	sld [smem:$0x3FFE];
	[sflag:s23] =	ssyncadd.s32 $0xFFFFFFFF  }
0xab: {  	s26 =	simm.s32 $execute0_lowered;
	[smem:$0x3FD2] =	sst s25  }
0xac: {  	s6 =	sshll.u32 s26, $0x1;
	_ =	strace $0x80000046;
	[dreg:$0x1] =	wrdreg $0xFFFFFFFF  }
0xad: {  	s28 =	simm.s32 $_size_execute0_lowered;
	s4 =	sadd.s32 s4, s6;
	[dreg:$0x0] =	wrdreg $0x0  }
0xae: {  	s6 =	sshll.u32 s28, $0x1;
	[dreg:$0x2] =	wrdreg s4  }
0xaf: {  	[dreg:$0x3] =	wrdreg s6  }
0xb0: {  	[dreg:$0x4] =	wrdreg $0xC0  }
0xb1: {  	_ =	task [dreg:s8], $0x5FFFF  }
0xb2: {  	[dreg:$0x1] =	wrdreg $0xFFFFFFFF  }
0xb3: {  	[dreg:$0x0] =	wrdreg $0x60  }
0xb4: {  	[dreg:$0x2] =	wrdreg s15  }
0xb5: {  	[dreg:$0x3] =	wrdreg s16  }
0xb6: {  	[dreg:$0x4] =	wrdreg s24  }
0xb7: {  	[dreg:$0x5] =	wrdreg $0x9  }
0xb8: {  	_ =	task.clear_ibuf [dreg:s8], $0x6FFFF;
	_ =	strace $0x90000046  }
0xb9: {  	s29 =	simm.s32 $0x9;
	_ =	strace $0x80000048  }
0xba: {  	_ =	swait.ge [sflag:s29], $0x1  }
0xbb: {  	[sflag:s29] =	ssyncadd.s32 $0xFFFFFFFF  }
0xbc: {  	_ =	strace $0x90000048  }
0xbd: {  	_ =	sfence  }
0xbe: {  	s30 =	sld [smem:$0x0];
	_ =	sdelay $0x2  }
0xbf: {  	s31 =	sshll.u32 s1, $0xD;
	s1 =	sshrl.u32 s1, $0x2  }
0xc0: {  	s3 =	sand.u32 $0x4000, s31;
	s1 =	sadd.s32 s1, s30  }
0xc1: {  	s0 =	sor.u32 s3, s0;
	s1 =	sshll.u32 s1, $0x11  }
0xc2: {  	s0 =	sor.u32 s1, s0  }
0xc3: {  	s0 =	sadd.s32 $0x8F2B, s0  }
0xc4: {  	[sflag:s0] =	ssyncadd.remote.s32 $0x1  }
0xc5: {  	_ =	sfence.sel $0xFFFF  }
0xc6: {  	[dreg:$0x0] =	wrdreg $0xFFFFFFFF;
	(pc) =	sbr.abs _section_cstart, $3  }
0xc7: {  	[dreg:$0x1] =	wrdreg $0xFFFFFFFF  }
0xc8: {  	_ =	task.clear_ibuf [dreg:s8], $0x2FFFF;
	_ =	strace $0x9FFFFFFF  }
0xc9: {  	(tm) =	ssettm $0x7FFFFFFF  }
tec
execute0_lowered:
.L_overlay_start_1:
0x0: {  	(tag) =	ssettag $0x1  }
0x1: {  	s1 =	rddreg [dreg:$0x0]  }
0x2: {  	s2 =	srdreg.scid;
	s4 =	rddreg [dreg:$0x1]  }
0x3: {  	s0 =	stileid.u32;
	s5 =	rddreg [dreg:$0x2]  }
0x4: {  	s3 =	simm.s32 $0x0;
	s19 =	simm.s32 $0x900;
	s20 =	simm.s32 $0x1100  }
0x5: {  	s21 =	simm.s32 $0x1900;
	s23 =	simm.s32 $0x2100;
	s24 =	simm.s32 $0x2900  }
0x6: {  	s25 =	simm.s32 $0x3100;
	s26 =	simm.s32 $0x3900;
	s8 =	simm.s32 $0x4900  }
0x7: {  	s9 =	simm.s32 $0x5100;
	s10 =	simm.s32 $0x5900;
	s11 =	simm.s32 $0x6100  }
0x8: {  	s12 =	simm.s32 $0x6900;
	s13 =	simm.s32 $0x7100;
	[smem:$0x7FF] =	sst s3  }
0x9: {  	s14 =	simm.s32 $0x7900;
	_ =	strace $0x80000047;
	[dreg:$0x6] =	wrdreg s19  }
0xa: {  	s15 =	simm.s32 $0x8100;
	s16 =	simm.s32 $0x8900;
	[dreg:$0x7] =	wrdreg s20  }
0xb: {  	s17 =	simm.s32 $0x9100;
	s28 =	simm.s32 $0xE100;
	[dreg:$0x8] =	wrdreg s21  }
0xc: {  	s29 =	simm.s32 $0xE900;
	s30 =	simm.s32 $0xF100;
	[dreg:$0x9] =	wrdreg s23  }
0xd: {  	s31 =	simm.s32 $0xF900;
	s2 =	sand.u32 $0x1, s2;
	[dreg:$0xa] =	wrdreg s24  }
0xe: {  	s6 =	sshll.u32 s0, $0x9;
	s7 =	sshll.u32 s2, $0x8;
	[dreg:$0xb] =	wrdreg s25  }
0xf: {  	s2 =	ssub.s32 $0x2, s2;
	[dreg:$0xc] =	wrdreg s26;
	s19 =	simm.s32 $0xA100  }
0x10: {  	s20 =	simm.s32 $0xA900;
	s21 =	simm.s32 $0xB100;
	s23 =	simm.s32 $0xC100  }
0x11: {  	s24 =	simm.s32 $0xC900;
	s25 =	simm.s32 $0xD100;
	s6 =	sor.u32 s7, s6  }
0x12: {  	s26 =	simm.s32 $0xD900;
	s22 =	sshrl.u32 s2, $0x1;
	s7 =	sshrl.u32 s6, $0x3  }
0x13: {  	s6 =	sshll.u32 s6, $0x5;
	s2 =	ssub.s32 s2, s22;
	s4 =	sadd.s32 s4, s7  }
0x14: {  	v2 =	vlaneseq.u32;
	s22 =	simm.s32 $0xB900;
	s18 =	sadd.s32 s5, s6;
	[dreg:$0x4] =	wrdreg s4  }
0x15: {  	vm0 =	vmmov $0xffff;
	v1 =	vshrl.u32 v2, $0x3;
	s5 =	simm.s32 $0x2;
	s6 =	simm.s32 $0x100;
	[dreg:$0x5] =	wrdreg s18  }
0x16: {  	v0 =	vand.u32 $0x7, v2;
	v2 =	vor.u32 $0x8, v2;
	v1 =	vmul.u32 $0x8, v1;
	s4 =	smax.u32 s2, $0x1;
	s18 =	simm.s32 $0x9900;
	s2 =	simm.s32 $0x1  }
.LBB2_1:
0x17: {  	s0 =	rddreg [dreg:$0x4]  }
0x18: {  	[tilespmem:s3], [sflag:$0x2] =	stream.linear.gather [hbm4b:s0+s3], $0x100, $0x38;
	[tilespmem:$0x10100] =	vst v63  }
0x19: {  	_ =	swait.ge [sflag:s5], $0x100  }
0x1a: {  	[sflag:s5] =	ssyncset.done $0x0  }
0x1b: {  	[sflag:s5] =	ssyncadd.s32 $0xFFFFFF00  }
0x1c: {  	v3 =	vld [tilespmem:$0x0];
	_ =	sdelay $0x4  }
0x1d: {  	v4 =	vshll.u32 v3, $0x1  }
0x1e: {  	v3 =	vand.u32 $0x7, v3;
	v4 =	vand.u32 $0xFFFFFFF0, v4  }
0x1f: {  	v3 =	vor.u32 v3, v4  }
0x20: {  	v4 =	vperm.xlane v3, v0;
	_ =	sdelay $0x1  }
0x21: {  	v3 =	vperm.xlane v3, v2;
	v4 =	vadd.s32 v1, v4;
	_ =	sdelay $0x1  }
0x22: {  	v3 =	vadd.s32 v1, v3;
	_ =	sdelay $0x2  }
0x23: {  	[tilespmem:s6], [sflag:$0x1] =	stream.indirect_vreg.gather [hbm4b:s1+s3], $0x80, v4, vm0, $0xb8;
	[tilespmem:$0x10100] =	vst v63  }
0x24: {  	s7 =	rddreg [dreg:$0x6]  }
0x25: {  	[tilespmem:s7], [sflag:$0x1] =	stream.indirect_vreg.gather [hbm4b:s1+s3], $0x80, v3, vm0, $0xb8;
	[tilespmem:$0x10100] =	vst v63  }
0x26: {  	v3 =	vld [tilespmem:$0x10];
	_ =	sdelay $0x4  }
0x27: {  	v49 =	vshll.u32 v3, $0x1  }
0x28: {  	v3 =	vand.u32 $0x7, v3;
	v4 =	vand.u32 $0xFFFFFFF0, v49  }
0x29: {  	v3 =	vor.u32 v3, v4  }
0x2a: {  	v4 =	vperm.xlane v3, v0;
	_ =	sdelay $0x1  }
0x2b: {  	v3 =	vperm.xlane v3, v2;
	v4 =	vadd.s32 v1, v4;
	_ =	sdelay $0x1  }
0x2c: {  	v3 =	vadd.s32 v1, v3;
	_ =	sdelay $0x1  }
0x2d: {  	s0 =	rddreg [dreg:$0x7]  }
0x2e: {  	[tilespmem:s0], [sflag:$0x1] =	stream.indirect_vreg.gather [hbm4b:s1+s3], $0x80, v4, vm0, $0xb8;
	[tilespmem:$0x10100] =	vst v63  }
0x2f: {  	s7 =	rddreg [dreg:$0x8]  }
0x30: {  	[tilespmem:s7], [sflag:$0x1] =	stream.indirect_vreg.gather [hbm4b:s1+s3], $0x80, v3, vm0, $0xb8;
	[tilespmem:$0x10100] =	vst v63  }
0x31: {  	v3 =	vld [tilespmem:$0x20];
	_ =	sdelay $0x4  }
0x32: {  	v50 =	vshll.u32 v3, $0x1  }
0x33: {  	v3 =	vand.u32 $0x7, v3;
	v4 =	vand.u32 $0xFFFFFFF0, v50  }
0x34: {  	v3 =	vor.u32 v3, v4  }
0x35: {  	v4 =	vperm.xlane v3, v0;
	_ =	sdelay $0x1  }
0x36: {  	v3 =	vperm.xlane v3, v2;
	v4 =	vadd.s32 v1, v4;
	_ =	sdelay $0x1  }
0x37: {  	v3 =	vadd.s32 v1, v3;
	_ =	sdelay $0x1  }
0x38: {  	s0 =	rddreg [dreg:$0x9]  }
0x39: {  	[tilespmem:s0], [sflag:$0x1] =	stream.indirect_vreg.gather [hbm4b:s1+s3], $0x80, v4, vm0, $0xb8;
	[tilespmem:$0x10100] =	vst v63  }
0x3a: {  	s7 =	rddreg [dreg:$0xa]  }
0x3b: {  	[tilespmem:s7], [sflag:$0x1] =	stream.indirect_vreg.gather [hbm4b:s1+s3], $0x80, v3, vm0, $0xb8;
	[tilespmem:$0x10100] =	vst v63  }
0x3c: {  	v3 =	vld [tilespmem:$0x30];
	_ =	sdelay $0x4  }
0x3d: {  	v51 =	vshll.u32 v3, $0x1  }
0x3e: {  	v3 =	vand.u32 $0x7, v3;
	v4 =	vand.u32 $0xFFFFFFF0, v51  }
0x3f: {  	v3 =	vor.u32 v3, v4  }
0x40: {  	v4 =	vperm.xlane v3, v0;
	_ =	sdelay $0x1  }
0x41: {  	v3 =	vperm.xlane v3, v2;
	v4 =	vadd.s32 v1, v4;
	_ =	sdelay $0x1  }
0x42: {  	v3 =	vadd.s32 v1, v3;
	_ =	sdelay $0x1  }
0x43: {  	s0 =	rddreg [dreg:$0xb]  }
0x44: {  	[tilespmem:s0], [sflag:$0x1] =	stream.indirect_vreg.gather [hbm4b:s1+s3], $0x80, v4, vm0, $0xb8;
	[tilespmem:$0x10100] =	vst v63  }
0x45: {  	s7 =	rddreg [dreg:$0xc]  }
0x46: {  	[tilespmem:s7], [sflag:$0x1] =	stream.indirect_vreg.gather [hbm4b:s1+s3], $0x80, v3, vm0, $0xb8;
	[tilespmem:$0x10100] =	vst v63  }
0x47: {  	v3 =	vld [tilespmem:$0x40];
	_ =	sdelay $0x4  }
0x48: {  	v52 =	vshll.u32 v3, $0x1  }
0x49: {  	v3 =	vand.u32 $0x7, v3;
	v4 =	vand.u32 $0xFFFFFFF0, v52  }
0x4a: {  	v3 =	vor.u32 v3, v4  }
0x4b: {  	v4 =	vperm.xlane v3, v0;
	_ =	sdelay $0x1  }
0x4c: {  	v3 =	vperm.xlane v3, v2;
	v4 =	vadd.s32 v1, v4;
	_ =	sdelay $0x1  }
0x4d: {  	v3 =	vadd.s32 v1, v3;
	_ =	sdelay $0x1  }
0x4e: {  	s7 =	simm.s32 $0x4100  }
0x4f: {  	[tilespmem:s7], [sflag:$0x1] =	stream.indirect_vreg.gather [hbm4b:s1+s3], $0x80, v4, vm0, $0xb8;
	[tilespmem:$0x10100] =	vst v63  }
0x50: {  	_ = 	snop  }
0x51: {  	[tilespmem:s8], [sflag:$0x1] =	stream.indirect_vreg.gather [hbm4b:s1+s3], $0x80, v3, vm0, $0xb8;
	[tilespmem:$0x10100] =	vst v63  }
0x52: {  	v3 =	vld [tilespmem:$0x50];
	_ =	sdelay $0x4  }
0x53: {  	v53 =	vshll.u32 v3, $0x1  }
0x54: {  	v3 =	vand.u32 $0x7, v3;
	v4 =	vand.u32 $0xFFFFFFF0, v53  }
0x55: {  	v3 =	vor.u32 v3, v4  }
0x56: {  	v4 =	vperm.xlane v3, v0;
	_ =	sdelay $0x1  }
0x57: {  	v3 =	vperm.xlane v3, v2;
	v4 =	vadd.s32 v1, v4;
	_ =	sdelay $0x1  }
0x58: {  	v3 =	vadd.s32 v1, v3;
	_ =	sdelay $0x2  }
0x59: {  	[tilespmem:s9], [sflag:$0x1] =	stream.indirect_vreg.gather [hbm4b:s1+s3], $0x80, v4, vm0, $0xb8;
	[tilespmem:$0x10100] =	vst v63  }
0x5a: {  	_ = 	snop  }
0x5b: {  	[tilespmem:s10], [sflag:$0x1] =	stream.indirect_vreg.gather [hbm4b:s1+s3], $0x80, v3, vm0, $0xb8;
	[tilespmem:$0x10100] =	vst v63  }
0x5c: {  	v3 =	vld [tilespmem:$0x60];
	_ =	sdelay $0x4  }
0x5d: {  	v54 =	vshll.u32 v3, $0x1  }
0x5e: {  	v3 =	vand.u32 $0x7, v3;
	v4 =	vand.u32 $0xFFFFFFF0, v54  }
0x5f: {  	v3 =	vor.u32 v3, v4  }
0x60: {  	v4 =	vperm.xlane v3, v0;
	_ =	sdelay $0x1  }
0x61: {  	v3 =	vperm.xlane v3, v2;
	v4 =	vadd.s32 v1, v4;
	_ =	sdelay $0x1  }
0x62: {  	v3 =	vadd.s32 v1, v3;
	_ =	sdelay $0x2  }
0x63: {  	[tilespmem:s11], [sflag:$0x1] =	stream.indirect_vreg.gather [hbm4b:s1+s3], $0x80, v4, vm0, $0xb8;
	[tilespmem:$0x10100] =	vst v63  }
0x64: {  	_ = 	snop  }
0x65: {  	[tilespmem:s12], [sflag:$0x1] =	stream.indirect_vreg.gather [hbm4b:s1+s3], $0x80, v3, vm0, $0xb8;
	[tilespmem:$0x10100] =	vst v63  }
0x66: {  	v3 =	vld [tilespmem:$0x70];
	_ =	sdelay $0x4  }
0x67: {  	v55 =	vshll.u32 v3, $0x1  }
0x68: {  	v3 =	vand.u32 $0x7, v3;
	v4 =	vand.u32 $0xFFFFFFF0, v55  }
0x69: {  	v3 =	vor.u32 v3, v4  }
0x6a: {  	v4 =	vperm.xlane v3, v0;
	_ =	sdelay $0x1  }
0x6b: {  	v3 =	vperm.xlane v3, v2;
	v4 =	vadd.s32 v1, v4;
	_ =	sdelay $0x1  }
0x6c: {  	v3 =	vadd.s32 v1, v3;
	_ =	sdelay $0x2  }
0x6d: {  	[tilespmem:s13], [sflag:$0x1] =	stream.indirect_vreg.gather [hbm4b:s1+s3], $0x80, v4, vm0, $0xb8;
	[tilespmem:$0x10100] =	vst v63  }
0x6e: {  	_ = 	snop  }
0x6f: {  	[tilespmem:s14], [sflag:$0x1] =	stream.indirect_vreg.gather [hbm4b:s1+s3], $0x80, v3, vm0, $0xb8;
	[tilespmem:$0x10100] =	vst v63  }
0x70: {  	v3 =	vld [tilespmem:$0x80];
	_ =	sdelay $0x4  }
0x71: {  	v56 =	vshll.u32 v3, $0x1  }
0x72: {  	v3 =	vand.u32 $0x7, v3;
	v4 =	vand.u32 $0xFFFFFFF0, v56  }
0x73: {  	v3 =	vor.u32 v3, v4  }
0x74: {  	v4 =	vperm.xlane v3, v0;
	_ =	sdelay $0x1  }
0x75: {  	v3 =	vperm.xlane v3, v2;
	v4 =	vadd.s32 v1, v4;
	_ =	sdelay $0x1  }
0x76: {  	v3 =	vadd.s32 v1, v3;
	_ =	sdelay $0x2  }
0x77: {  	[tilespmem:s15], [sflag:$0x1] =	stream.indirect_vreg.gather [hbm4b:s1+s3], $0x80, v4, vm0, $0xb8;
	[tilespmem:$0x10100] =	vst v63  }
0x78: {  	_ = 	snop  }
0x79: {  	[tilespmem:s16], [sflag:$0x1] =	stream.indirect_vreg.gather [hbm4b:s1+s3], $0x80, v3, vm0, $0xb8;
	[tilespmem:$0x10100] =	vst v63  }
0x7a: {  	v3 =	vld [tilespmem:$0x90];
	_ =	sdelay $0x4  }
0x7b: {  	v57 =	vshll.u32 v3, $0x1  }
0x7c: {  	v3 =	vand.u32 $0x7, v3;
	v4 =	vand.u32 $0xFFFFFFF0, v57  }
0x7d: {  	v3 =	vor.u32 v3, v4  }
0x7e: {  	v4 =	vperm.xlane v3, v0;
	_ =	sdelay $0x1  }
0x7f: {  	v3 =	vperm.xlane v3, v2;
	v4 =	vadd.s32 v1, v4;
	_ =	sdelay $0x1  }
0x80: {  	v3 =	vadd.s32 v1, v3;
	_ =	sdelay $0x2  }
0x81: {  	[tilespmem:s17], [sflag:$0x1] =	stream.indirect_vreg.gather [hbm4b:s1+s3], $0x80, v4, vm0, $0xb8;
	[tilespmem:$0x10100] =	vst v63  }
0x82: {  	_ = 	snop  }
0x83: {  	[tilespmem:s18], [sflag:$0x1] =	stream.indirect_vreg.gather [hbm4b:s1+s3], $0x80, v3, vm0, $0xb8;
	[tilespmem:$0x10100] =	vst v63  }
0x84: {  	v3 =	vld [tilespmem:$0xA0];
	_ =	sdelay $0x4  }
0x85: {  	v58 =	vshll.u32 v3, $0x1  }
0x86: {  	v3 =	vand.u32 $0x7, v3;
	v4 =	vand.u32 $0xFFFFFFF0, v58  }
0x87: {  	v3 =	vor.u32 v3, v4  }
0x88: {  	v4 =	vperm.xlane v3, v0;
	_ =	sdelay $0x1  }
0x89: {  	v3 =	vperm.xlane v3, v2;
	v4 =	vadd.s32 v1, v4;
	_ =	sdelay $0x1  }
0x8a: {  	v3 =	vadd.s32 v1, v3;
	_ =	sdelay $0x2  }
0x8b: {  	[tilespmem:s19], [sflag:$0x1] =	stream.indirect_vreg.gather [hbm4b:s1+s3], $0x80, v4, vm0, $0xb8;
	[tilespmem:$0x10100] =	vst v63  }
0x8c: {  	_ = 	snop  }
0x8d: {  	[tilespmem:s20], [sflag:$0x1] =	stream.indirect_vreg.gather [hbm4b:s1+s3], $0x80, v3, vm0, $0xb8;
	[tilespmem:$0x10100] =	vst v63  }
0x8e: {  	v3 =	vld [tilespmem:$0xB0];
	_ =	sdelay $0x4  }
0x8f: {  	v59 =	vshll.u32 v3, $0x1  }
0x90: {  	v3 =	vand.u32 $0x7, v3;
	v4 =	vand.u32 $0xFFFFFFF0, v59  }
0x91: {  	v3 =	vor.u32 v3, v4  }
0x92: {  	v4 =	vperm.xlane v3, v0;
	_ =	sdelay $0x1  }
0x93: {  	v3 =	vperm.xlane v3, v2;
	v4 =	vadd.s32 v1, v4;
	_ =	sdelay $0x1  }
0x94: {  	v3 =	vadd.s32 v1, v3;
	_ =	sdelay $0x2  }
0x95: {  	[tilespmem:s21], [sflag:$0x1] =	stream.indirect_vreg.gather [hbm4b:s1+s3], $0x80, v4, vm0, $0xb8;
	[tilespmem:$0x10100] =	vst v63  }
0x96: {  	_ = 	snop  }
0x97: {  	[tilespmem:s22], [sflag:$0x1] =	stream.indirect_vreg.gather [hbm4b:s1+s3], $0x80, v3, vm0, $0xb8;
	[tilespmem:$0x10100] =	vst v63  }
0x98: {  	v3 =	vld [tilespmem:$0xC0];
	_ =	sdelay $0x4  }
0x99: {  	v60 =	vshll.u32 v3, $0x1  }
0x9a: {  	v3 =	vand.u32 $0x7, v3;
	v4 =	vand.u32 $0xFFFFFFF0, v60  }
0x9b: {  	v3 =	vor.u32 v3, v4  }
0x9c: {  	v4 =	vperm.xlane v3, v0;
	_ =	sdelay $0x1  }
0x9d: {  	v3 =	vperm.xlane v3, v2;
	v4 =	vadd.s32 v1, v4;
	_ =	sdelay $0x1  }
0x9e: {  	v3 =	vadd.s32 v1, v3;
	_ =	sdelay $0x2  }
0x9f: {  	[tilespmem:s23], [sflag:$0x1] =	stream.indirect_vreg.gather [hbm4b:s1+s3], $0x80, v4, vm0, $0xb8;
	[tilespmem:$0x10100] =	vst v63  }
0xa0: {  	_ = 	snop  }
0xa1: {  	[tilespmem:s24], [sflag:$0x1] =	stream.indirect_vreg.gather [hbm4b:s1+s3], $0x80, v3, vm0, $0xb8;
	[tilespmem:$0x10100] =	vst v63  }
0xa2: {  	v3 =	vld [tilespmem:$0xD0];
	_ =	sdelay $0x4  }
0xa3: {  	v61 =	vshll.u32 v3, $0x1  }
0xa4: {  	v3 =	vand.u32 $0x7, v3;
	v4 =	vand.u32 $0xFFFFFFF0, v61  }
0xa5: {  	v3 =	vor.u32 v3, v4  }
0xa6: {  	v4 =	vperm.xlane v3, v0;
	_ =	sdelay $0x1  }
0xa7: {  	v3 =	vperm.xlane v3, v2;
	v4 =	vadd.s32 v1, v4;
	_ =	sdelay $0x1  }
0xa8: {  	v3 =	vadd.s32 v1, v3;
	_ =	sdelay $0x2  }
0xa9: {  	[tilespmem:s25], [sflag:$0x1] =	stream.indirect_vreg.gather [hbm4b:s1+s3], $0x80, v4, vm0, $0xb8;
	[tilespmem:$0x10100] =	vst v63  }
0xaa: {  	_ = 	snop  }
0xab: {  	[tilespmem:s26], [sflag:$0x1] =	stream.indirect_vreg.gather [hbm4b:s1+s3], $0x80, v3, vm0, $0xb8;
	[tilespmem:$0x10100] =	vst v63  }
0xac: {  	v3 =	vld [tilespmem:$0xE0];
	_ =	sdelay $0x4  }
0xad: {  	v62 =	vshll.u32 v3, $0x1  }
0xae: {  	v3 =	vand.u32 $0x7, v3;
	v4 =	vand.u32 $0xFFFFFFF0, v62  }
0xaf: {  	v3 =	vor.u32 v3, v4  }
0xb0: {  	v4 =	vperm.xlane v3, v0;
	_ =	sdelay $0x1  }
0xb1: {  	v3 =	vperm.xlane v3, v2;
	v4 =	vadd.s32 v1, v4;
	_ =	sdelay $0x1  }
0xb2: {  	v3 =	vadd.s32 v1, v3;
	_ =	sdelay $0x2  }
0xb3: {  	[tilespmem:s28], [sflag:$0x1] =	stream.indirect_vreg.gather [hbm4b:s1+s3], $0x80, v4, vm0, $0xb8;
	[tilespmem:$0x10100] =	vst v63  }
0xb4: {  	_ = 	snop  }
0xb5: {  	[tilespmem:s29], [sflag:$0x1] =	stream.indirect_vreg.gather [hbm4b:s1+s3], $0x80, v3, vm0, $0xb8;
	[tilespmem:$0x10100] =	vst v63  }
0xb6: {  	v3 =	vld [tilespmem:$0xF0];
	_ =	sdelay $0x4  }
0xb7: {  	v63 =	vshll.u32 v3, $0x1  }
0xb8: {  	v3 =	vand.u32 $0x7, v3;
	v4 =	vand.u32 $0xFFFFFFF0, v63  }
0xb9: {  	v3 =	vor.u32 v3, v4  }
0xba: {  	v4 =	vperm.xlane v3, v0;
	_ =	sdelay $0x1  }
0xbb: {  	v3 =	vperm.xlane v3, v2;
	v4 =	vadd.s32 v1, v4;
	_ =	sdelay $0x1  }
0xbc: {  	v3 =	vadd.s32 v1, v3;
	_ =	sdelay $0x2  }
0xbd: {  	[tilespmem:s30], [sflag:$0x1] =	stream.indirect_vreg.gather [hbm4b:s1+s3], $0x80, v4, vm0, $0xb8;
	[tilespmem:$0x10100] =	vst v63  }
0xbe: {  	_ = 	snop  }
0xbf: {  	[tilespmem:s31], [sflag:$0x1] =	stream.indirect_vreg.gather [hbm4b:s1+s3], $0x80, v3, vm0, $0xb8;
	[tilespmem:$0x10100] =	vst v63  }
0xc0: {  	_ =	swait.ge [sflag:s2], $0x10000  }
0xc1: {  	p0 =	sne.s32 s4, $0x1;
	[sflag:s2] =	ssyncset.done $0x0  }
.Ltmp0:
0xc2: {  	s7 =	rddreg [dreg:$0x5];
	[sflag:s2] =	ssyncadd.s32 $0xFFFF0000;
	(pc) =	sbr.rel @p0 .LBB2_1-.Ltmp0, $4  }
0xc3: {  	[hbm4b:s7+s3] =	stream.linear.scatter [tilespmem:s6], [sflag:$0x2], $0x10000, $0x38;
	[tilespmem:$0x10100] =	vst v63  }
0xc4: {  	_ =	swait.ge [sflag:s5], $0x10000  }
0xc5: {  	[sflag:s5] =	ssyncset.done $0x0  }
0xc6: {  	s4 =	sadd.s32 $0xFFFFFFFF, s4;
	[sflag:s5] =	ssyncadd.s32 $0xFFFF0000  }
0xc7: {  	_ =	sfence.sel $0x180000  }
0xc8: {  	[bflag:$0x0] =	sbarrier.arrive $0xFFFF  }
0xc9: {  	_ =	strace $0x90000047  }
0xca: {  	s0 =	stileid.u32;
	[bflag:$0x2] =	sbarrier.arrive $0xFFFF  }
0xcb: {  	p0 =	sne.s32 s0, $0x0;
	s0 =	rddreg [dreg:$0x3]  }
0xcc: {  	s0 =	sadd.s32 @!p0 $0x100000, s0  }
0xcd: {  	[sflag:s0] =	ssyncadd.tile.s32 @!p0 $0x1;
	_ =	shalt  }
.Lfunc_end2:
_tile_overlayer_lowered:
.L_overlay_start_2:
0xce: {  	(tag) =	ssettag $0x2  }
0xcf: {  	s0 =	rddreg [dreg:$0x0];
	s2 =	stileid.u32  }
0xd0: {  	s1 =	rddreg [dreg:$0x1];
	p0 =	sne.s32 s2, $0x0  }
0xd1: {  	s3 =	rddreg [dreg:$0x2];
	[bflag:$0x3] =	sbarrier.arrive $0xFFFF;
	s2 =	simm.s32 @!p0 $0x1C02  }
0xd2: {  	[timem:s3], [sflag:s2] =	dma.local @!p0 [hbm:s0], s1  }
0xd3: {  	s0 =	simm.s32 @!p0 $0x2  }
0xd4: {  	_ =	swait.ge @!p0 [sflag:s0], s1  }
0xd5: {  	s1 =	ssub.s32 @!p0 $0x0, s1;
	[sflag:s0] =	ssyncset.done @!p0 $0x0  }
0xd6: {  	[sflag:s0] =	ssyncadd.s32 @!p0 s1  }
0xd7: {  	[bflag:$0x3] =	sbarrier.arrive $0xFFFF  }
0xd8: {  	_ =	shalt  }

</sc_bundles>
